<compile_context>
chip_gen: v7x
topology: tpu7x:2x2x1
jax: 0.10.2.dev20260603
libtpu: 0.0.44.dev20260713+nightly
codegen_flags: <defaults>
</compile_context>

<pallas_src>
import jax
import jax.numpy as jnp
from jax import lax
from jax.experimental import pallas as pl
from jax.experimental.pallas import tpu as pltpu
from jax.experimental.pallas import tpu_sc as plsc

_B = 4096
_F = 26
_ED = 8
_SPARSE = _F * _ED
_N = _B * _F
_NW = 32
_PW = _N // _NW
_PWE = _PW * _ED
_MAIN = 999936
_FLAT = _MAIN * _ED



def _sc_gather_kernel(idx_hbm, tidx_hbm, wmain, dmain, wtail, dtail,
                      wide_out, deep_out,
                      idx_v, tidx_v, wtmp, dtmp, wsum, wtail_v, dtail_v,
                      sem_w, sem_d):
    info = plsc.get_sparse_core_info()
    nc = info.num_cores
    wid = lax.axis_index("s") * nc + lax.axis_index("c")
    base = wid * _PWE

    pltpu.sync_copy(idx_hbm.at[pl.ds(base, _PWE)], idx_v)
    pltpu.sync_copy(tidx_hbm.at[pl.ds(base, _PWE)], tidx_v)
    pltpu.sync_copy(wtail, wtail_v)
    pltpu.sync_copy(dtail, dtail_v)

    copies = []
    for c in range(_ED):
        sl = pl.ds(c * _PW, _PW)
        copies.append(pltpu.async_copy(wmain.at[idx_v.at[sl]],
                                       wtmp.at[sl], sem_w))
        copies.append(pltpu.async_copy(dmain.at[idx_v.at[sl]],
                                       dtmp.at[sl], sem_d))
    for cp in copies:
        cp.wait()

    def tail_body(g, carry):
        sl = pl.ds(g * 16, 16)
        tv = tidx_v[sl]
        m = tv > 0
        ti = tv - 1
        wv = plsc.load_gather(wtail_v, [ti], mask=m)
        dv = plsc.load_gather(dtail_v, [ti], mask=m)
        wtmp[sl] = jnp.where(m, wv, wtmp[sl])
        dtmp[sl] = jnp.where(m, dv, dtmp[sl])
        return carry

    lax.fori_loop(0, _PWE // 16, tail_body, 0)

    def wsum_body(g, carry):
        sl = pl.ds(g * 16, 16)
        acc = wtmp[sl]
        for c in range(1, _ED):
            acc = acc + wtmp[pl.ds(c * _PW + g * 16, 16)]
        wsum[sl] = acc
        return carry

    lax.fori_loop(0, _PW // 16, wsum_body, 0)
    pltpu.sync_copy(wsum, wide_out.at[pl.ds(wid * _PW, _PW)])

    lanes = lax.iota(jnp.int32, 16)

    def reord_body(g, carry):
        pv = lanes + g * 16
        src = (pv & 7) * _PW + (pv >> 3)
        wtmp[pl.ds(g * 16, 16)] = plsc.load_gather(dtmp, [src])
        return carry

    lax.fori_loop(0, _PWE // 16, reord_body, 0)
    pltpu.sync_copy(wtmp, deep_out.at[pl.ds(base, _PWE)])


def _sc_gather(idx1d, tidx1d, wmain, dmain, wtail, dtail):
    mesh = plsc.VectorSubcoreMesh(core_axis_name="c", subcore_axis_name="s")
    f = pl.kernel(
        _sc_gather_kernel,
        out_type=[
            jax.ShapeDtypeStruct((_N,), jnp.float32),
            jax.ShapeDtypeStruct((_N * _ED,), jnp.float32),
        ],
        mesh=mesh,
        scratch_types=[
            pltpu.VMEM((_PWE,), jnp.int32),
            pltpu.VMEM((_PWE,), jnp.int32),
            pltpu.VMEM((_PWE,), jnp.float32),
            pltpu.VMEM((_PWE,), jnp.float32),
            pltpu.VMEM((_PW,), jnp.float32),
            pltpu.VMEM((8 * 64,), jnp.float32),
            pltpu.VMEM((8 * 64,), jnp.float32),
            pltpu.SemaphoreType.DMA,
            pltpu.SemaphoreType.DMA,
        ],
        compiler_params=pltpu.CompilerParams(use_tc_tiling_on_sc=False,
                                             needs_layout_passes=False),
    )
    return f(idx1d, tidx1d, wmain, dmain, wtail, dtail)


def _tc_mlp_kernel(deep_ref, wide_ref, g_ref, bta_ref,
                   w0_ref, b0_ref, w1_ref, b1_ref, w2_ref, b2_ref,
                   w3_ref, b3_ref, out_ref):
    wide_out = jnp.sum(wide_ref[...], axis=1, keepdims=True)
    h = deep_ref[...]
    mu = jnp.mean(h, axis=1, keepdims=True)
    var = jnp.mean(jnp.square(h - mu), axis=1, keepdims=True)
    h = (h - mu) * lax.rsqrt(var + 1e-5) * g_ref[...] + bta_ref[...]
    h = jnp.maximum(jnp.dot(h, w0_ref[...], preferred_element_type=jnp.float32)
                    + b0_ref[...], 0.0)
    h = jnp.maximum(jnp.dot(h, w1_ref[...], preferred_element_type=jnp.float32)
                    + b1_ref[...], 0.0)
    h = jnp.maximum(jnp.dot(h, w2_ref[...], preferred_element_type=jnp.float32)
                    + b2_ref[...], 0.0)
    dnn = jnp.sum(h * w3_ref[...], axis=1, keepdims=True) + b3_ref[...]
    out_ref[...] = jax.nn.sigmoid(wide_out + dnn)


def _tc_mlp(deep_emb, wide_f, ln_gamma, ln_beta,
            W0, b0, W1, b1, W2, b2, W3, b3):
    bb = 1024
    grid = (_B // bb,)
    full = lambda shape: pl.BlockSpec(shape, lambda i: (0, 0))
    return pl.pallas_call(
        _tc_mlp_kernel,
        grid=grid,
        in_specs=[
            pl.BlockSpec((bb, _SPARSE), lambda i: (i, 0)),
            pl.BlockSpec((bb, _F), lambda i: (i, 0)),
            full((1, _SPARSE)),
            full((1, _SPARSE)),
            full((_SPARSE, 512)),
            full((1, 512)),
            full((512, 256)),
            full((1, 256)),
            full((256, 128)),
            full((1, 128)),
            full((1, 128)),
            full((1, 1)),
        ],
        out_specs=pl.BlockSpec((bb, 1), lambda i: (i, 0)),
        out_shape=jax.ShapeDtypeStruct((_B, 1), jnp.float32),
    )(deep_emb, wide_f, ln_gamma.reshape(1, -1), ln_beta.reshape(1, -1),
      W0, b0.reshape(1, -1), W1, b1.reshape(1, -1), W2, b2.reshape(1, -1),
      W3.reshape(1, -1), b3.reshape(1, 1))


def _flat_view(table):
    return (table[:_MAIN].T.reshape(_ED, _MAIN // 128, 128)
            .transpose(1, 0, 2).reshape(-1))


@jax.jit
def kernel(x, wide_table, deep_table, ln_gamma, ln_beta,
           W0, b0, W1, b1, W2, b2, W3, b3):
    xw = x.reshape(_NW, 1, _PW)
    tail = xw >= _MAIN
    qbase = (xw >> 7) * 1024 + (xw & 127)
    cr = jnp.arange(_ED, dtype=jnp.int32).reshape(1, _ED, 1)
    idx1d = jnp.where(tail, 0, qbase + cr * 128).reshape(-1)
    tidx1d = jnp.where(tail, (xw - _MAIN) + 64 * cr + 1, 0).reshape(-1)
    wtail = wide_table[_MAIN:].T.reshape(-1)
    dtail = deep_table[_MAIN:].T.reshape(-1)

    wide_c, deep_flat = _sc_gather(
        idx1d, tidx1d, _flat_view(wide_table), _flat_view(deep_table),
        wtail, dtail)

    deep_emb = deep_flat.reshape(_B, _SPARSE)
    wide_f = wide_c.reshape(_B, _F)
    return _tc_mlp(deep_emb, wide_f, ln_gamma, ln_beta,
                   W0, b0, W1, b1, W2, b2, W3, b3)

# --- scband reference (transcript-rebuilt; emitter-appended) ---
"""Pipeline reference for scband-wide-deep-dense-53360673685885 (READ-ONLY COPY).

The authoritative reference and input builder live on the scoring server;
editing this copy changes nothing except your own understanding.
"""

import jax, jax.numpy as jnp
import numpy as np

VOCAB = 1000000
B = 4096
F = 26
WD = 8   # wide embedding dim
DD = 8   # deep embedding dim
SPARSE_DIM = F * DD  # 208
HIDDEN = [512, 256, 128]


def setup_inputs(seed: int = 0) -> dict:
    key = jax.random.key(seed)
    ks = jax.random.split(key, 16)
    x = jax.random.randint(ks[0], (B, F), 0, VOCAB, dtype=jnp.int32)
    # EmbeddingSumConcat tables, NormalTensorInitializer(var=0.01) -> std=0.1
    wide_table = jax.random.normal(ks[1], (VOCAB, WD), dtype=jnp.float32) * 0.1
    deep_table = jax.random.normal(ks[2], (VOCAB, DD), dtype=jnp.float32) * 0.1
    # input LayerNorm params (input_norm=True)
    ln_gamma = jnp.ones((SPARSE_DIM,), dtype=jnp.float32)
    ln_beta = jnp.zeros((SPARSE_DIM,), dtype=jnp.float32)
    # MLP: 208 -> 512 -> 256 -> 128 -> 1
    dims = [SPARSE_DIM] + HIDDEN + [1]
    params = {}
    for i in range(len(dims) - 1):
        fan_in = dims[i]
        params['W%d' % i] = jax.random.normal(ks[3 + i], (dims[i], dims[i + 1]), dtype=jnp.float32) * np.sqrt(2.0 / fan_in)
        params['b%d' % i] = jnp.zeros((dims[i + 1],), dtype=jnp.float32)
    inp = {'x': x, 'wide_table': wide_table, 'deep_table': deep_table,
           'ln_gamma': ln_gamma, 'ln_beta': ln_beta}
    inp.update(params)
    return inp


def _layernorm(h, gamma, beta, eps=1e-5):
    mu = jnp.mean(h, axis=-1, keepdims=True)
    var = jnp.var(h, axis=-1, keepdims=True)
    return (h - mu) / jnp.sqrt(var + eps) * gamma + beta


def reference(x, wide_table, deep_table, ln_gamma, ln_beta,
              W0, b0, W1, b1, W2, b2, W3, b3):
    bsz = x.shape[0]
    # wide branch: EmbeddingSumConcat (one index per field -> concat), then sum -> [B,1]
    wide_emb = jnp.take(wide_table, x, axis=0).reshape(bsz, F * WD)
    wide_out = jnp.sum(wide_emb, axis=1, keepdims=True)
    # deep branch
    deep_emb = jnp.take(deep_table, x, axis=0).reshape(bsz, F * DD)
    h = _layernorm(deep_emb, ln_gamma, ln_beta)
    h = jax.nn.relu(h @ W0 + b0)
    h = jax.nn.relu(h @ W1 + b1)
    h = jax.nn.relu(h @ W2 + b2)
    dnn_out = h @ W3 + b3
    out = jax.nn.sigmoid(wide_out + dnn_out)
    return out

if __name__ == "__main__":
    import jax
    _d = setup_inputs()
    print(jax.jit(kernel)(*tuple(_d.values())))

</pallas_src>

<mosaic_0001>
#map = affine_map<(d0, d1) -> (0)>
module attributes {stable_mosaic.version = 14 : i64} {
  func.func @_sc_gather_kernel(%arg0: i32, %arg1: i32, %arg2: memref<851968xi32, #tpu.memory_space<hbm>>, %arg3: memref<851968xi32, #tpu.memory_space<hbm>>, %arg4: memref<7999488xf32, #tpu.memory_space<hbm>>, %arg5: memref<7999488xf32, #tpu.memory_space<hbm>>, %arg6: memref<512xf32, #tpu.memory_space<hbm>>, %arg7: memref<512xf32, #tpu.memory_space<hbm>>, %arg8: memref<106496xf32, #tpu.memory_space<hbm>>, %arg9: memref<851968xf32, #tpu.memory_space<hbm>>, %arg10: memref<26624xi32, #tpu.memory_space<vmem>>, %arg11: memref<26624xi32, #tpu.memory_space<vmem>>, %arg12: memref<26624xf32, #tpu.memory_space<vmem>>, %arg13: memref<26624xf32, #tpu.memory_space<vmem>>, %arg14: memref<3328xf32, #tpu.memory_space<vmem>>, %arg15: memref<512xf32, #tpu.memory_space<vmem>>, %arg16: memref<512xf32, #tpu.memory_space<vmem>>, %arg17: memref<!tpu.dma_semaphore, #tpu.memory_space<semaphore_mem>>, %arg18: memref<!tpu.dma_semaphore, #tpu.memory_space<semaphore_mem>>) attributes {dimension_semantics = [#tpu.dimension_semantics<core_parallel>, #tpu.dimension_semantics<subcore_parallel>], iteration_bounds = array<i64: 2, 16>, scalar_prefetch = 0 : i64, scratch_operands = 9 : i64, tpu.core_type = #tpu.core_type<sc_vector_subcore>, window_params = [{transform_indices = #map}, {transform_indices = #map}, {transform_indices = #map}, {transform_indices = #map}, {transform_indices = #map}, {transform_indices = #map}, {transform_indices = #map}, {transform_indices = #map}]} {
    %mul3A = arith.constant 2 : i32
    %mul3A_0 = arith.muli %arg1, %mul3A : i32
    %add3A = arith.addi %mul3A_0, %arg0 : i32
    %mul3A_1 = arith.constant 26624 : i32
    %mul3A_2 = arith.muli %add3A, %mul3A_1 : i32
    "tpu.region"() ({
      %run_scoped3A = tpu.sem_alloc : memref<!tpu.dma_semaphore, #tpu.memory_space<semaphore_mem>>
      %dma_start3A_212 = tpu.memref_slice %arg2[%mul3A_2] : memref<851968xi32, #tpu.memory_space<hbm>> -> memref<26624xi32, #tpu.memory_space<hbm>>
      %dma_start3A_213 = tpu.memref_slice %arg2[%mul3A_2] : memref<851968xi32, #tpu.memory_space<hbm>> -> memref<26624xi32, #tpu.memory_space<hbm>>
      tpu.enqueue_dma source(%dma_start3A_213 : memref<26624xi32, #tpu.memory_space<hbm>>) target(%arg10 : memref<26624xi32, #tpu.memory_space<vmem>>) target_semaphore(%run_scoped3A : memref<!tpu.dma_semaphore, #tpu.memory_space<semaphore_mem>>)
      %dma_wait3A_214 = tpu.memref_slice %arg2[%mul3A_2] : memref<851968xi32, #tpu.memory_space<hbm>> -> memref<26624xi32, #tpu.memory_space<hbm>>
      %dma_wait3A_215 = tpu.memref_slice %arg2[%mul3A_2] : memref<851968xi32, #tpu.memory_space<hbm>> -> memref<26624xi32, #tpu.memory_space<hbm>>
      tpu.wait_dma2 semaphore(%run_scoped3A : memref<!tpu.dma_semaphore, #tpu.memory_space<semaphore_mem>>) src(%dma_wait3A_215 : memref<26624xi32, #tpu.memory_space<hbm>>) dst(%arg10 : memref<26624xi32, #tpu.memory_space<vmem>>)
      tpu.yield
    }) : () -> ()
    "tpu.region"() ({
      %run_scoped3A = tpu.sem_alloc : memref<!tpu.dma_semaphore, #tpu.memory_space<semaphore_mem>>
      %dma_start3A_212 = tpu.memref_slice %arg3[%mul3A_2] : memref<851968xi32, #tpu.memory_space<hbm>> -> memref<26624xi32, #tpu.memory_space<hbm>>
      %dma_start3A_213 = tpu.memref_slice %arg3[%mul3A_2] : memref<851968xi32, #tpu.memory_space<hbm>> -> memref<26624xi32, #tpu.memory_space<hbm>>
      tpu.enqueue_dma source(%dma_start3A_213 : memref<26624xi32, #tpu.memory_space<hbm>>) target(%arg11 : memref<26624xi32, #tpu.memory_space<vmem>>) target_semaphore(%run_scoped3A : memref<!tpu.dma_semaphore, #tpu.memory_space<semaphore_mem>>)
      %dma_wait3A_214 = tpu.memref_slice %arg3[%mul3A_2] : memref<851968xi32, #tpu.memory_space<hbm>> -> memref<26624xi32, #tpu.memory_space<hbm>>
      %dma_wait3A_215 = tpu.memref_slice %arg3[%mul3A_2] : memref<851968xi32, #tpu.memory_space<hbm>> -> memref<26624xi32, #tpu.memory_space<hbm>>
      tpu.wait_dma2 semaphore(%run_scoped3A : memref<!tpu.dma_semaphore, #tpu.memory_space<semaphore_mem>>) src(%dma_wait3A_215 : memref<26624xi32, #tpu.memory_space<hbm>>) dst(%arg11 : memref<26624xi32, #tpu.memory_space<vmem>>)
      tpu.yield
    }) : () -> ()
    "tpu.region"() ({
      %run_scoped3A = tpu.sem_alloc : memref<!tpu.dma_semaphore, #tpu.memory_space<semaphore_mem>>
      tpu.enqueue_dma source(%arg6 : memref<512xf32, #tpu.memory_space<hbm>>) target(%arg15 : memref<512xf32, #tpu.memory_space<vmem>>) target_semaphore(%run_scoped3A : memref<!tpu.dma_semaphore, #tpu.memory_space<semaphore_mem>>)
      tpu.wait_dma2 semaphore(%run_scoped3A : memref<!tpu.dma_semaphore, #tpu.memory_space<semaphore_mem>>) src(%arg6 : memref<512xf32, #tpu.memory_space<hbm>>) dst(%arg15 : memref<512xf32, #tpu.memory_space<vmem>>)
      tpu.yield
    }) : () -> ()
    "tpu.region"() ({
      %run_scoped3A = tpu.sem_alloc : memref<!tpu.dma_semaphore, #tpu.memory_space<semaphore_mem>>
      tpu.enqueue_dma source(%arg7 : memref<512xf32, #tpu.memory_space<hbm>>) target(%arg16 : memref<512xf32, #tpu.memory_space<vmem>>) target_semaphore(%run_scoped3A : memref<!tpu.dma_semaphore, #tpu.memory_space<semaphore_mem>>)
      tpu.wait_dma2 semaphore(%run_scoped3A : memref<!tpu.dma_semaphore, #tpu.memory_space<semaphore_mem>>) src(%arg7 : memref<512xf32, #tpu.memory_space<hbm>>) dst(%arg16 : memref<512xf32, #tpu.memory_space<vmem>>)
      tpu.yield
    }) : () -> ()
    %dma_start3A = arith.constant 0 : i32
    %dma_start3A_3 = tpu.memref_slice %arg12[%dma_start3A] : memref<26624xf32, #tpu.memory_space<vmem>> -> memref<3328xf32, #tpu.memory_space<vmem>>
    %dma_start3A_4 = arith.constant 0 : i32
    %dma_start3A_5 = tpu.memref_slice %arg10[%dma_start3A_4] : memref<26624xi32, #tpu.memory_space<vmem>> -> memref<3328xi32, #tpu.memory_space<vmem>>
    %dma_start3A_6 = arith.constant 0 : i32
    %dma_start3A_7 = tpu.memref_slice %arg4[%dma_start3A_6] : memref<7999488xf32, #tpu.memory_space<hbm>> -> memref<7999488xf32, #tpu.memory_space<hbm>>
    tpu.enqueue_indirect_dma source(%dma_start3A_7 : memref<7999488xf32, #tpu.memory_space<hbm>>) target(%dma_start3A_3 : memref<3328xf32, #tpu.memory_space<vmem>>) offsets(%dma_start3A_5 : memref<3328xi32, #tpu.memory_space<vmem>>) semaphore(%arg17 : memref<!tpu.dma_semaphore, #tpu.memory_space<semaphore_mem>>)
    %dma_start3A_8 = arith.constant 0 : i32
    %dma_start3A_9 = tpu.memref_slice %arg13[%dma_start3A_8] : memref<26624xf32, #tpu.memory_space<vmem>> -> memref<3328xf32, #tpu.memory_space<vmem>>
    %dma_start3A_10 = arith.constant 0 : i32
    %dma_start3A_11 = tpu.memref_slice %arg10[%dma_start3A_10] : memref<26624xi32, #tpu.memory_space<vmem>> -> memref<3328xi32, #tpu.memory_space<vmem>>
    %dma_start3A_12 = arith.constant 0 : i32
    %dma_start3A_13 = tpu.memref_slice %arg5[%dma_start3A_12] : memref<7999488xf32, #tpu.memory_space<hbm>> -> memref<7999488xf32, #tpu.memory_space<hbm>>
    tpu.enqueue_indirect_dma source(%dma_start3A_13 : memref<7999488xf32, #tpu.memory_space<hbm>>) target(%dma_start3A_9 : memref<3328xf32, #tpu.memory_space<vmem>>) offsets(%dma_start3A_11 : memref<3328xi32, #tpu.memory_space<vmem>>) semaphore(%arg18 : memref<!tpu.dma_semaphore, #tpu.memory_space<semaphore_mem>>)
    %dma_start3A_14 = arith.constant 3328 : i32
    %dma_start3A_15 = tpu.memref_slice %arg12[%dma_start3A_14] : memref<26624xf32, #tpu.memory_space<vmem>> -> memref<3328xf32, #tpu.memory_space<vmem>>
    %dma_start3A_16 = arith.constant 3328 : i32
    %dma_start3A_17 = tpu.memref_slice %arg10[%dma_start3A_16] : memref<26624xi32, #tpu.memory_space<vmem>> -> memref<3328xi32, #tpu.memory_space<vmem>>
    %dma_start3A_18 = arith.constant 0 : i32
    %dma_start3A_19 = tpu.memref_slice %arg4[%dma_start3A_18] : memref<7999488xf32, #tpu.memory_space<hbm>> -> memref<7999488xf32, #tpu.memory_space<hbm>>
    tpu.enqueue_indirect_dma source(%dma_start3A_19 : memref<7999488xf32, #tpu.memory_space<hbm>>) target(%dma_start3A_15 : memref<3328xf32, #tpu.memory_space<vmem>>) offsets(%dma_start3A_17 : memref<3328xi32, #tpu.memory_space<vmem>>) semaphore(%arg17 : memref<!tpu.dma_semaphore, #tpu.memory_space<semaphore_mem>>)
    %dma_start3A_20 = arith.constant 3328 : i32
    %dma_start3A_21 = tpu.memref_slice %arg13[%dma_start3A_20] : memref<26624xf32, #tpu.memory_space<vmem>> -> memref<3328xf32, #tpu.memory_space<vmem>>
    %dma_start3A_22 = arith.constant 3328 : i32
    %dma_start3A_23 = tpu.memref_slice %arg10[%dma_start3A_22] : memref<26624xi32, #tpu.memory_space<vmem>> -> memref<3328xi32, #tpu.memory_space<vmem>>
    %dma_start3A_24 = arith.constant 0 : i32
    %dma_start3A_25 = tpu.memref_slice %arg5[%dma_start3A_24] : memref<7999488xf32, #tpu.memory_space<hbm>> -> memref<7999488xf32, #tpu.memory_space<hbm>>
    tpu.enqueue_indirect_dma source(%dma_start3A_25 : memref<7999488xf32, #tpu.memory_space<hbm>>) target(%dma_start3A_21 : memref<3328xf32, #tpu.memory_space<vmem>>) offsets(%dma_start3A_23 : memref<3328xi32, #tpu.memory_space<vmem>>) semaphore(%arg18 : memref<!tpu.dma_semaphore, #tpu.memory_space<semaphore_mem>>)
    %dma_start3A_26 = arith.constant 6656 : i32
    %dma_start3A_27 = tpu.memref_slice %arg12[%dma_start3A_26] : memref<26624xf32, #tpu.memory_space<vmem>> -> memref<3328xf32, #tpu.memory_space<vmem>>
    %dma_start3A_28 = arith.constant 6656 : i32
    %dma_start3A_29 = tpu.memref_slice %arg10[%dma_start3A_28] : memref<26624xi32, #tpu.memory_space<vmem>> -> memref<3328xi32, #tpu.memory_space<vmem>>
    %dma_start3A_30 = arith.constant 0 : i32
    %dma_start3A_31 = tpu.memref_slice %arg4[%dma_start3A_30] : memref<7999488xf32, #tpu.memory_space<hbm>> -> memref<7999488xf32, #tpu.memory_space<hbm>>
    tpu.enqueue_indirect_dma source(%dma_start3A_31 : memref<7999488xf32, #tpu.memory_space<hbm>>) target(%dma_start3A_27 : memref<3328xf32, #tpu.memory_space<vmem>>) offsets(%dma_start3A_29 : memref<3328xi32, #tpu.memory_space<vmem>>) semaphore(%arg17 : memref<!tpu.dma_semaphore, #tpu.memory_space<semaphore_mem>>)
    %dma_start3A_32 = arith.constant 6656 : i32
    %dma_start3A_33 = tpu.memref_slice %arg13[%dma_start3A_32] : memref<26624xf32, #tpu.memory_space<vmem>> -> memref<3328xf32, #tpu.memory_space<vmem>>
    %dma_start3A_34 = arith.constant 6656 : i32
    %dma_start3A_35 = tpu.memref_slice %arg10[%dma_start3A_34] : memref<26624xi32, #tpu.memory_space<vmem>> -> memref<3328xi32, #tpu.memory_space<vmem>>
    %dma_start3A_36 = arith.constant 0 : i32
    %dma_start3A_37 = tpu.memref_slice %arg5[%dma_start3A_36] : memref<7999488xf32, #tpu.memory_space<hbm>> -> memref<7999488xf32, #tpu.memory_space<hbm>>
    tpu.enqueue_indirect_dma source(%dma_start3A_37 : memref<7999488xf32, #tpu.memory_space<hbm>>) target(%dma_start3A_33 : memref<3328xf32, #tpu.memory_space<vmem>>) offsets(%dma_start3A_35 : memref<3328xi32, #tpu.memory_space<vmem>>) semaphore(%arg18 : memref<!tpu.dma_semaphore, #tpu.memory_space<semaphore_mem>>)
    %dma_start3A_38 = arith.constant 9984 : i32
    %dma_start3A_39 = tpu.memref_slice %arg12[%dma_start3A_38] : memref<26624xf32, #tpu.memory_space<vmem>> -> memref<3328xf32, #tpu.memory_space<vmem>>
    %dma_start3A_40 = arith.constant 9984 : i32
    %dma_start3A_41 = tpu.memref_slice %arg10[%dma_start3A_40] : memref<26624xi32, #tpu.memory_space<vmem>> -> memref<3328xi32, #tpu.memory_space<vmem>>
    %dma_start3A_42 = arith.constant 0 : i32
    %dma_start3A_43 = tpu.memref_slice %arg4[%dma_start3A_42] : memref<7999488xf32, #tpu.memory_space<hbm>> -> memref<7999488xf32, #tpu.memory_space<hbm>>
    tpu.enqueue_indirect_dma source(%dma_start3A_43 : memref<7999488xf32, #tpu.memory_space<hbm>>) target(%dma_start3A_39 : memref<3328xf32, #tpu.memory_space<vmem>>) offsets(%dma_start3A_41 : memref<3328xi32, #tpu.memory_space<vmem>>) semaphore(%arg17 : memref<!tpu.dma_semaphore, #tpu.memory_space<semaphore_mem>>)
    %dma_start3A_44 = arith.constant 9984 : i32
    %dma_start3A_45 = tpu.memref_slice %arg13[%dma_start3A_44] : memref<26624xf32, #tpu.memory_space<vmem>> -> memref<3328xf32, #tpu.memory_space<vmem>>
    %dma_start3A_46 = arith.constant 9984 : i32
    %dma_start3A_47 = tpu.memref_slice %arg10[%dma_start3A_46] : memref<26624xi32, #tpu.memory_space<vmem>> -> memref<3328xi32, #tpu.memory_space<vmem>>
    %dma_start3A_48 = arith.constant 0 : i32
    %dma_start3A_49 = tpu.memref_slice %arg5[%dma_start3A_48] : memref<7999488xf32, #tpu.memory_space<hbm>> -> memref<7999488xf32, #tpu.memory_space<hbm>>
    tpu.enqueue_indirect_dma source(%dma_start3A_49 : memref<7999488xf32, #tpu.memory_space<hbm>>) target(%dma_start3A_45 : memref<3328xf32, #tpu.memory_space<vmem>>) offsets(%dma_start3A_47 : memref<3328xi32, #tpu.memory_space<vmem>>) semaphore(%arg18 : memref<!tpu.dma_semaphore, #tpu.memory_space<semaphore_mem>>)
    %dma_start3A_50 = arith.constant 13312 : i32
    %dma_start3A_51 = tpu.memref_slice %arg12[%dma_start3A_50] : memref<26624xf32, #tpu.memory_space<vmem>> -> memref<3328xf32, #tpu.memory_space<vmem>>
    %dma_start3A_52 = arith.constant 13312 : i32
    %dma_start3A_53 = tpu.memref_slice %arg10[%dma_start3A_52] : memref<26624xi32, #tpu.memory_space<vmem>> -> memref<3328xi32, #tpu.memory_space<vmem>>
    %dma_start3A_54 = arith.constant 0 : i32
    %dma_start3A_55 = tpu.memref_slice %arg4[%dma_start3A_54] : memref<7999488xf32, #tpu.memory_space<hbm>> -> memref<7999488xf32, #tpu.memory_space<hbm>>
    tpu.enqueue_indirect_dma source(%dma_start3A_55 : memref<7999488xf32, #tpu.memory_space<hbm>>) target(%dma_start3A_51 : memref<3328xf32, #tpu.memory_space<vmem>>) offsets(%dma_start3A_53 : memref<3328xi32, #tpu.memory_space<vmem>>) semaphore(%arg17 : memref<!tpu.dma_semaphore, #tpu.memory_space<semaphore_mem>>)
    %dma_start3A_56 = arith.constant 13312 : i32
    %dma_start3A_57 = tpu.memref_slice %arg13[%dma_start3A_56] : memref<26624xf32, #tpu.memory_space<vmem>> -> memref<3328xf32, #tpu.memory_space<vmem>>
    %dma_start3A_58 = arith.constant 13312 : i32
    %dma_start3A_59 = tpu.memref_slice %arg10[%dma_start3A_58] : memref<26624xi32, #tpu.memory_space<vmem>> -> memref<3328xi32, #tpu.memory_space<vmem>>
    %dma_start3A_60 = arith.constant 0 : i32
    %dma_start3A_61 = tpu.memref_slice %arg5[%dma_start3A_60] : memref<7999488xf32, #tpu.memory_space<hbm>> -> memref<7999488xf32, #tpu.memory_space<hbm>>
    tpu.enqueue_indirect_dma source(%dma_start3A_61 : memref<7999488xf32, #tpu.memory_space<hbm>>) target(%dma_start3A_57 : memref<3328xf32, #tpu.memory_space<vmem>>) offsets(%dma_start3A_59 : memref<3328xi32, #tpu.memory_space<vmem>>) semaphore(%arg18 : memref<!tpu.dma_semaphore, #tpu.memory_space<semaphore_mem>>)
    %dma_start3A_62 = arith.constant 16640 : i32
    %dma_start3A_63 = tpu.memref_slice %arg12[%dma_start3A_62] : memref<26624xf32, #tpu.memory_space<vmem>> -> memref<3328xf32, #tpu.memory_space<vmem>>
    %dma_start3A_64 = arith.constant 16640 : i32
    %dma_start3A_65 = tpu.memref_slice %arg10[%dma_start3A_64] : memref<26624xi32, #tpu.memory_space<vmem>> -> memref<3328xi32, #tpu.memory_space<vmem>>
    %dma_start3A_66 = arith.constant 0 : i32
    %dma_start3A_67 = tpu.memref_slice %arg4[%dma_start3A_66] : memref<7999488xf32, #tpu.memory_space<hbm>> -> memref<7999488xf32, #tpu.memory_space<hbm>>
    tpu.enqueue_indirect_dma source(%dma_start3A_67 : memref<7999488xf32, #tpu.memory_space<hbm>>) target(%dma_start3A_63 : memref<3328xf32, #tpu.memory_space<vmem>>) offsets(%dma_start3A_65 : memref<3328xi32, #tpu.memory_space<vmem>>) semaphore(%arg17 : memref<!tpu.dma_semaphore, #tpu.memory_space<semaphore_mem>>)
    %dma_start3A_68 = arith.constant 16640 : i32
    %dma_start3A_69 = tpu.memref_slice %arg13[%dma_start3A_68] : memref<26624xf32, #tpu.memory_space<vmem>> -> memref<3328xf32, #tpu.memory_space<vmem>>
    %dma_start3A_70 = arith.constant 16640 : i32
    %dma_start3A_71 = tpu.memref_slice %arg10[%dma_start3A_70] : memref<26624xi32, #tpu.memory_space<vmem>> -> memref<3328xi32, #tpu.memory_space<vmem>>
    %dma_start3A_72 = arith.constant 0 : i32
    %dma_start3A_73 = tpu.memref_slice %arg5[%dma_start3A_72] : memref<7999488xf32, #tpu.memory_space<hbm>> -> memref<7999488xf32, #tpu.memory_space<hbm>>
    tpu.enqueue_indirect_dma source(%dma_start3A_73 : memref<7999488xf32, #tpu.memory_space<hbm>>) target(%dma_start3A_69 : memref<3328xf32, #tpu.memory_space<vmem>>) offsets(%dma_start3A_71 : memref<3328xi32, #tpu.memory_space<vmem>>) semaphore(%arg18 : memref<!tpu.dma_semaphore, #tpu.memory_space<semaphore_mem>>)
    %dma_start3A_74 = arith.constant 19968 : i32
    %dma_start3A_75 = tpu.memref_slice %arg12[%dma_start3A_74] : memref<26624xf32, #tpu.memory_space<vmem>> -> memref<3328xf32, #tpu.memory_space<vmem>>
    %dma_start3A_76 = arith.constant 19968 : i32
    %dma_start3A_77 = tpu.memref_slice %arg10[%dma_start3A_76] : memref<26624xi32, #tpu.memory_space<vmem>> -> memref<3328xi32, #tpu.memory_space<vmem>>
    %dma_start3A_78 = arith.constant 0 : i32
    %dma_start3A_79 = tpu.memref_slice %arg4[%dma_start3A_78] : memref<7999488xf32, #tpu.memory_space<hbm>> -> memref<7999488xf32, #tpu.memory_space<hbm>>
    tpu.enqueue_indirect_dma source(%dma_start3A_79 : memref<7999488xf32, #tpu.memory_space<hbm>>) target(%dma_start3A_75 : memref<3328xf32, #tpu.memory_space<vmem>>) offsets(%dma_start3A_77 : memref<3328xi32, #tpu.memory_space<vmem>>) semaphore(%arg17 : memref<!tpu.dma_semaphore, #tpu.memory_space<semaphore_mem>>)
    %dma_start3A_80 = arith.constant 19968 : i32
    %dma_start3A_81 = tpu.memref_slice %arg13[%dma_start3A_80] : memref<26624xf32, #tpu.memory_space<vmem>> -> memref<3328xf32, #tpu.memory_space<vmem>>
    %dma_start3A_82 = arith.constant 19968 : i32
    %dma_start3A_83 = tpu.memref_slice %arg10[%dma_start3A_82] : memref<26624xi32, #tpu.memory_space<vmem>> -> memref<3328xi32, #tpu.memory_space<vmem>>
    %dma_start3A_84 = arith.constant 0 : i32
    %dma_start3A_85 = tpu.memref_slice %arg5[%dma_start3A_84] : memref<7999488xf32, #tpu.memory_space<hbm>> -> memref<7999488xf32, #tpu.memory_space<hbm>>
    tpu.enqueue_indirect_dma source(%dma_start3A_85 : memref<7999488xf32, #tpu.memory_space<hbm>>) target(%dma_start3A_81 : memref<3328xf32, #tpu.memory_space<vmem>>) offsets(%dma_start3A_83 : memref<3328xi32, #tpu.memory_space<vmem>>) semaphore(%arg18 : memref<!tpu.dma_semaphore, #tpu.memory_space<semaphore_mem>>)
    %dma_start3A_86 = arith.constant 23296 : i32
    %dma_start3A_87 = tpu.memref_slice %arg12[%dma_start3A_86] : memref<26624xf32, #tpu.memory_space<vmem>> -> memref<3328xf32, #tpu.memory_space<vmem>>
    %dma_start3A_88 = arith.constant 23296 : i32
    %dma_start3A_89 = tpu.memref_slice %arg10[%dma_start3A_88] : memref<26624xi32, #tpu.memory_space<vmem>> -> memref<3328xi32, #tpu.memory_space<vmem>>
    %dma_start3A_90 = arith.constant 0 : i32
    %dma_start3A_91 = tpu.memref_slice %arg4[%dma_start3A_90] : memref<7999488xf32, #tpu.memory_space<hbm>> -> memref<7999488xf32, #tpu.memory_space<hbm>>
    tpu.enqueue_indirect_dma source(%dma_start3A_91 : memref<7999488xf32, #tpu.memory_space<hbm>>) target(%dma_start3A_87 : memref<3328xf32, #tpu.memory_space<vmem>>) offsets(%dma_start3A_89 : memref<3328xi32, #tpu.memory_space<vmem>>) semaphore(%arg17 : memref<!tpu.dma_semaphore, #tpu.memory_space<semaphore_mem>>)
    %dma_start3A_92 = arith.constant 23296 : i32
    %dma_start3A_93 = tpu.memref_slice %arg13[%dma_start3A_92] : memref<26624xf32, #tpu.memory_space<vmem>> -> memref<3328xf32, #tpu.memory_space<vmem>>
    %dma_start3A_94 = arith.constant 23296 : i32
    %dma_start3A_95 = tpu.memref_slice %arg10[%dma_start3A_94] : memref<26624xi32, #tpu.memory_space<vmem>> -> memref<3328xi32, #tpu.memory_space<vmem>>
    %dma_start3A_96 = arith.constant 0 : i32
    %dma_start3A_97 = tpu.memref_slice %arg5[%dma_start3A_96] : memref<7999488xf32, #tpu.memory_space<hbm>> -> memref<7999488xf32, #tpu.memory_space<hbm>>
    tpu.enqueue_indirect_dma source(%dma_start3A_97 : memref<7999488xf32, #tpu.memory_space<hbm>>) target(%dma_start3A_93 : memref<3328xf32, #tpu.memory_space<vmem>>) offsets(%dma_start3A_95 : memref<3328xi32, #tpu.memory_space<vmem>>) semaphore(%arg18 : memref<!tpu.dma_semaphore, #tpu.memory_space<semaphore_mem>>)
    %dma_wait3A = arith.constant 0 : i32
    %dma_wait3A_98 = tpu.memref_slice %arg12[%dma_wait3A] : memref<26624xf32, #tpu.memory_space<vmem>> -> memref<3328xf32, #tpu.memory_space<vmem>>
    %dma_wait3A_99 = arith.constant 0 : i32
    %dma_wait3A_100 = tpu.memref_slice %arg10[%dma_wait3A_99] : memref<26624xi32, #tpu.memory_space<vmem>> -> memref<3328xi32, #tpu.memory_space<vmem>>
    %dma_wait3A_101 = arith.constant 0 : i32
    %dma_wait3A_102 = tpu.memref_slice %arg4[%dma_wait3A_101] : memref<7999488xf32, #tpu.memory_space<hbm>> -> memref<7999488xf32, #tpu.memory_space<hbm>>
    tpu.wait_indirect_dma semaphore(%arg17 : memref<!tpu.dma_semaphore, #tpu.memory_space<semaphore_mem>>) src(%dma_wait3A_102 : memref<7999488xf32, #tpu.memory_space<hbm>>) dst(%dma_wait3A_98 : memref<3328xf32, #tpu.memory_space<vmem>>)
    %dma_wait3A_103 = arith.constant 0 : i32
    %dma_wait3A_104 = tpu.memref_slice %arg13[%dma_wait3A_103] : memref<26624xf32, #tpu.memory_space<vmem>> -> memref<3328xf32, #tpu.memory_space<vmem>>
    %dma_wait3A_105 = arith.constant 0 : i32
    %dma_wait3A_106 = tpu.memref_slice %arg10[%dma_wait3A_105] : memref<26624xi32, #tpu.memory_space<vmem>> -> memref<3328xi32, #tpu.memory_space<vmem>>
    %dma_wait3A_107 = arith.constant 0 : i32
    %dma_wait3A_108 = tpu.memref_slice %arg5[%dma_wait3A_107] : memref<7999488xf32, #tpu.memory_space<hbm>> -> memref<7999488xf32, #tpu.memory_space<hbm>>
    tpu.wait_indirect_dma semaphore(%arg18 : memref<!tpu.dma_semaphore, #tpu.memory_space<semaphore_mem>>) src(%dma_wait3A_108 : memref<7999488xf32, #tpu.memory_space<hbm>>) dst(%dma_wait3A_104 : memref<3328xf32, #tpu.memory_space<vmem>>)
    %dma_wait3A_109 = arith.constant 3328 : i32
    %dma_wait3A_110 = tpu.memref_slice %arg12[%dma_wait3A_109] : memref<26624xf32, #tpu.memory_space<vmem>> -> memref<3328xf32, #tpu.memory_space<vmem>>
    %dma_wait3A_111 = arith.constant 3328 : i32
    %dma_wait3A_112 = tpu.memref_slice %arg10[%dma_wait3A_111] : memref<26624xi32, #tpu.memory_space<vmem>> -> memref<3328xi32, #tpu.memory_space<vmem>>
    %dma_wait3A_113 = arith.constant 0 : i32
    %dma_wait3A_114 = tpu.memref_slice %arg4[%dma_wait3A_113] : memref<7999488xf32, #tpu.memory_space<hbm>> -> memref<7999488xf32, #tpu.memory_space<hbm>>
    tpu.wait_indirect_dma semaphore(%arg17 : memref<!tpu.dma_semaphore, #tpu.memory_space<semaphore_mem>>) src(%dma_wait3A_114 : memref<7999488xf32, #tpu.memory_space<hbm>>) dst(%dma_wait3A_110 : memref<3328xf32, #tpu.memory_space<vmem>>)
    %dma_wait3A_115 = arith.constant 3328 : i32
    %dma_wait3A_116 = tpu.memref_slice %arg13[%dma_wait3A_115] : memref<26624xf32, #tpu.memory_space<vmem>> -> memref<3328xf32, #tpu.memory_space<vmem>>
    %dma_wait3A_117 = arith.constant 3328 : i32
    %dma_wait3A_118 = tpu.memref_slice %arg10[%dma_wait3A_117] : memref<26624xi32, #tpu.memory_space<vmem>> -> memref<3328xi32, #tpu.memory_space<vmem>>
    %dma_wait3A_119 = arith.constant 0 : i32
    %dma_wait3A_120 = tpu.memref_slice %arg5[%dma_wait3A_119] : memref<7999488xf32, #tpu.memory_space<hbm>> -> memref<7999488xf32, #tpu.memory_space<hbm>>
    tpu.wait_indirect_dma semaphore(%arg18 : memref<!tpu.dma_semaphore, #tpu.memory_space<semaphore_mem>>) src(%dma_wait3A_120 : memref<7999488xf32, #tpu.memory_space<hbm>>) dst(%dma_wait3A_116 : memref<3328xf32, #tpu.memory_space<vmem>>)
    %dma_wait3A_121 = arith.constant 6656 : i32
    %dma_wait3A_122 = tpu.memref_slice %arg12[%dma_wait3A_121] : memref<26624xf32, #tpu.memory_space<vmem>> -> memref<3328xf32, #tpu.memory_space<vmem>>
    %dma_wait3A_123 = arith.constant 6656 : i32
    %dma_wait3A_124 = tpu.memref_slice %arg10[%dma_wait3A_123] : memref<26624xi32, #tpu.memory_space<vmem>> -> memref<3328xi32, #tpu.memory_space<vmem>>
    %dma_wait3A_125 = arith.constant 0 : i32
    %dma_wait3A_126 = tpu.memref_slice %arg4[%dma_wait3A_125] : memref<7999488xf32, #tpu.memory_space<hbm>> -> memref<7999488xf32, #tpu.memory_space<hbm>>
    tpu.wait_indirect_dma semaphore(%arg17 : memref<!tpu.dma_semaphore, #tpu.memory_space<semaphore_mem>>) src(%dma_wait3A_126 : memref<7999488xf32, #tpu.memory_space<hbm>>) dst(%dma_wait3A_122 : memref<3328xf32, #tpu.memory_space<vmem>>)
    %dma_wait3A_127 = arith.constant 6656 : i32
    %dma_wait3A_128 = tpu.memref_slice %arg13[%dma_wait3A_127] : memref<26624xf32, #tpu.memory_space<vmem>> -> memref<3328xf32, #tpu.memory_space<vmem>>
    %dma_wait3A_129 = arith.constant 6656 : i32
    %dma_wait3A_130 = tpu.memref_slice %arg10[%dma_wait3A_129] : memref<26624xi32, #tpu.memory_space<vmem>> -> memref<3328xi32, #tpu.memory_space<vmem>>
    %dma_wait3A_131 = arith.constant 0 : i32
    %dma_wait3A_132 = tpu.memref_slice %arg5[%dma_wait3A_131] : memref<7999488xf32, #tpu.memory_space<hbm>> -> memref<7999488xf32, #tpu.memory_space<hbm>>
    tpu.wait_indirect_dma semaphore(%arg18 : memref<!tpu.dma_semaphore, #tpu.memory_space<semaphore_mem>>) src(%dma_wait3A_132 : memref<7999488xf32, #tpu.memory_space<hbm>>) dst(%dma_wait3A_128 : memref<3328xf32, #tpu.memory_space<vmem>>)
    %dma_wait3A_133 = arith.constant 9984 : i32
    %dma_wait3A_134 = tpu.memref_slice %arg12[%dma_wait3A_133] : memref<26624xf32, #tpu.memory_space<vmem>> -> memref<3328xf32, #tpu.memory_space<vmem>>
    %dma_wait3A_135 = arith.constant 9984 : i32
    %dma_wait3A_136 = tpu.memref_slice %arg10[%dma_wait3A_135] : memref<26624xi32, #tpu.memory_space<vmem>> -> memref<3328xi32, #tpu.memory_space<vmem>>
    %dma_wait3A_137 = arith.constant 0 : i32
    %dma_wait3A_138 = tpu.memref_slice %arg4[%dma_wait3A_137] : memref<7999488xf32, #tpu.memory_space<hbm>> -> memref<7999488xf32, #tpu.memory_space<hbm>>
    tpu.wait_indirect_dma semaphore(%arg17 : memref<!tpu.dma_semaphore, #tpu.memory_space<semaphore_mem>>) src(%dma_wait3A_138 : memref<7999488xf32, #tpu.memory_space<hbm>>) dst(%dma_wait3A_134 : memref<3328xf32, #tpu.memory_space<vmem>>)
    %dma_wait3A_139 = arith.constant 9984 : i32
    %dma_wait3A_140 = tpu.memref_slice %arg13[%dma_wait3A_139] : memref<26624xf32, #tpu.memory_space<vmem>> -> memref<3328xf32, #tpu.memory_space<vmem>>
    %dma_wait3A_141 = arith.constant 9984 : i32
    %dma_wait3A_142 = tpu.memref_slice %arg10[%dma_wait3A_141] : memref<26624xi32, #tpu.memory_space<vmem>> -> memref<3328xi32, #tpu.memory_space<vmem>>
    %dma_wait3A_143 = arith.constant 0 : i32
    %dma_wait3A_144 = tpu.memref_slice %arg5[%dma_wait3A_143] : memref<7999488xf32, #tpu.memory_space<hbm>> -> memref<7999488xf32, #tpu.memory_space<hbm>>
    tpu.wait_indirect_dma semaphore(%arg18 : memref<!tpu.dma_semaphore, #tpu.memory_space<semaphore_mem>>) src(%dma_wait3A_144 : memref<7999488xf32, #tpu.memory_space<hbm>>) dst(%dma_wait3A_140 : memref<3328xf32, #tpu.memory_space<vmem>>)
    %dma_wait3A_145 = arith.constant 13312 : i32
    %dma_wait3A_146 = tpu.memref_slice %arg12[%dma_wait3A_145] : memref<26624xf32, #tpu.memory_space<vmem>> -> memref<3328xf32, #tpu.memory_space<vmem>>
    %dma_wait3A_147 = arith.constant 13312 : i32
    %dma_wait3A_148 = tpu.memref_slice %arg10[%dma_wait3A_147] : memref<26624xi32, #tpu.memory_space<vmem>> -> memref<3328xi32, #tpu.memory_space<vmem>>
    %dma_wait3A_149 = arith.constant 0 : i32
    %dma_wait3A_150 = tpu.memref_slice %arg4[%dma_wait3A_149] : memref<7999488xf32, #tpu.memory_space<hbm>> -> memref<7999488xf32, #tpu.memory_space<hbm>>
    tpu.wait_indirect_dma semaphore(%arg17 : memref<!tpu.dma_semaphore, #tpu.memory_space<semaphore_mem>>) src(%dma_wait3A_150 : memref<7999488xf32, #tpu.memory_space<hbm>>) dst(%dma_wait3A_146 : memref<3328xf32, #tpu.memory_space<vmem>>)
    %dma_wait3A_151 = arith.constant 13312 : i32
    %dma_wait3A_152 = tpu.memref_slice %arg13[%dma_wait3A_151] : memref<26624xf32, #tpu.memory_space<vmem>> -> memref<3328xf32, #tpu.memory_space<vmem>>
    %dma_wait3A_153 = arith.constant 13312 : i32
    %dma_wait3A_154 = tpu.memref_slice %arg10[%dma_wait3A_153] : memref<26624xi32, #tpu.memory_space<vmem>> -> memref<3328xi32, #tpu.memory_space<vmem>>
    %dma_wait3A_155 = arith.constant 0 : i32
    %dma_wait3A_156 = tpu.memref_slice %arg5[%dma_wait3A_155] : memref<7999488xf32, #tpu.memory_space<hbm>> -> memref<7999488xf32, #tpu.memory_space<hbm>>
    tpu.wait_indirect_dma semaphore(%arg18 : memref<!tpu.dma_semaphore, #tpu.memory_space<semaphore_mem>>) src(%dma_wait3A_156 : memref<7999488xf32, #tpu.memory_space<hbm>>) dst(%dma_wait3A_152 : memref<3328xf32, #tpu.memory_space<vmem>>)
    %dma_wait3A_157 = arith.constant 16640 : i32
    %dma_wait3A_158 = tpu.memref_slice %arg12[%dma_wait3A_157] : memref<26624xf32, #tpu.memory_space<vmem>> -> memref<3328xf32, #tpu.memory_space<vmem>>
    %dma_wait3A_159 = arith.constant 16640 : i32
    %dma_wait3A_160 = tpu.memref_slice %arg10[%dma_wait3A_159] : memref<26624xi32, #tpu.memory_space<vmem>> -> memref<3328xi32, #tpu.memory_space<vmem>>
    %dma_wait3A_161 = arith.constant 0 : i32
    %dma_wait3A_162 = tpu.memref_slice %arg4[%dma_wait3A_161] : memref<7999488xf32, #tpu.memory_space<hbm>> -> memref<7999488xf32, #tpu.memory_space<hbm>>
    tpu.wait_indirect_dma semaphore(%arg17 : memref<!tpu.dma_semaphore, #tpu.memory_space<semaphore_mem>>) src(%dma_wait3A_162 : memref<7999488xf32, #tpu.memory_space<hbm>>) dst(%dma_wait3A_158 : memref<3328xf32, #tpu.memory_space<vmem>>)
    %dma_wait3A_163 = arith.constant 16640 : i32
    %dma_wait3A_164 = tpu.memref_slice %arg13[%dma_wait3A_163] : memref<26624xf32, #tpu.memory_space<vmem>> -> memref<3328xf32, #tpu.memory_space<vmem>>
    %dma_wait3A_165 = arith.constant 16640 : i32
    %dma_wait3A_166 = tpu.memref_slice %arg10[%dma_wait3A_165] : memref<26624xi32, #tpu.memory_space<vmem>> -> memref<3328xi32, #tpu.memory_space<vmem>>
    %dma_wait3A_167 = arith.constant 0 : i32
    %dma_wait3A_168 = tpu.memref_slice %arg5[%dma_wait3A_167] : memref<7999488xf32, #tpu.memory_space<hbm>> -> memref<7999488xf32, #tpu.memory_space<hbm>>
    tpu.wait_indirect_dma semaphore(%arg18 : memref<!tpu.dma_semaphore, #tpu.memory_space<semaphore_mem>>) src(%dma_wait3A_168 : memref<7999488xf32, #tpu.memory_space<hbm>>) dst(%dma_wait3A_164 : memref<3328xf32, #tpu.memory_space<vmem>>)
    %dma_wait3A_169 = arith.constant 19968 : i32
    %dma_wait3A_170 = tpu.memref_slice %arg12[%dma_wait3A_169] : memref<26624xf32, #tpu.memory_space<vmem>> -> memref<3328xf32, #tpu.memory_space<vmem>>
    %dma_wait3A_171 = arith.constant 19968 : i32
    %dma_wait3A_172 = tpu.memref_slice %arg10[%dma_wait3A_171] : memref<26624xi32, #tpu.memory_space<vmem>> -> memref<3328xi32, #tpu.memory_space<vmem>>
    %dma_wait3A_173 = arith.constant 0 : i32
    %dma_wait3A_174 = tpu.memref_slice %arg4[%dma_wait3A_173] : memref<7999488xf32, #tpu.memory_space<hbm>> -> memref<7999488xf32, #tpu.memory_space<hbm>>
    tpu.wait_indirect_dma semaphore(%arg17 : memref<!tpu.dma_semaphore, #tpu.memory_space<semaphore_mem>>) src(%dma_wait3A_174 : memref<7999488xf32, #tpu.memory_space<hbm>>) dst(%dma_wait3A_170 : memref<3328xf32, #tpu.memory_space<vmem>>)
    %dma_wait3A_175 = arith.constant 19968 : i32
    %dma_wait3A_176 = tpu.memref_slice %arg13[%dma_wait3A_175] : memref<26624xf32, #tpu.memory_space<vmem>> -> memref<3328xf32, #tpu.memory_space<vmem>>
    %dma_wait3A_177 = arith.constant 19968 : i32
    %dma_wait3A_178 = tpu.memref_slice %arg10[%dma_wait3A_177] : memref<26624xi32, #tpu.memory_space<vmem>> -> memref<3328xi32, #tpu.memory_space<vmem>>
    %dma_wait3A_179 = arith.constant 0 : i32
    %dma_wait3A_180 = tpu.memref_slice %arg5[%dma_wait3A_179] : memref<7999488xf32, #tpu.memory_space<hbm>> -> memref<7999488xf32, #tpu.memory_space<hbm>>
    tpu.wait_indirect_dma semaphore(%arg18 : memref<!tpu.dma_semaphore, #tpu.memory_space<semaphore_mem>>) src(%dma_wait3A_180 : memref<7999488xf32, #tpu.memory_space<hbm>>) dst(%dma_wait3A_176 : memref<3328xf32, #tpu.memory_space<vmem>>)
    %dma_wait3A_181 = arith.constant 23296 : i32
    %dma_wait3A_182 = tpu.memref_slice %arg12[%dma_wait3A_181] : memref<26624xf32, #tpu.memory_space<vmem>> -> memref<3328xf32, #tpu.memory_space<vmem>>
    %dma_wait3A_183 = arith.constant 23296 : i32
    %dma_wait3A_184 = tpu.memref_slice %arg10[%dma_wait3A_183] : memref<26624xi32, #tpu.memory_space<vmem>> -> memref<3328xi32, #tpu.memory_space<vmem>>
    %dma_wait3A_185 = arith.constant 0 : i32
    %dma_wait3A_186 = tpu.memref_slice %arg4[%dma_wait3A_185] : memref<7999488xf32, #tpu.memory_space<hbm>> -> memref<7999488xf32, #tpu.memory_space<hbm>>
    tpu.wait_indirect_dma semaphore(%arg17 : memref<!tpu.dma_semaphore, #tpu.memory_space<semaphore_mem>>) src(%dma_wait3A_186 : memref<7999488xf32, #tpu.memory_space<hbm>>) dst(%dma_wait3A_182 : memref<3328xf32, #tpu.memory_space<vmem>>)
    %dma_wait3A_187 = arith.constant 23296 : i32
    %dma_wait3A_188 = tpu.memref_slice %arg13[%dma_wait3A_187] : memref<26624xf32, #tpu.memory_space<vmem>> -> memref<3328xf32, #tpu.memory_space<vmem>>
    %dma_wait3A_189 = arith.constant 23296 : i32
    %dma_wait3A_190 = tpu.memref_slice %arg10[%dma_wait3A_189] : memref<26624xi32, #tpu.memory_space<vmem>> -> memref<3328xi32, #tpu.memory_space<vmem>>
    %dma_wait3A_191 = arith.constant 0 : i32
    %dma_wait3A_192 = tpu.memref_slice %arg5[%dma_wait3A_191] : memref<7999488xf32, #tpu.memory_space<hbm>> -> memref<7999488xf32, #tpu.memory_space<hbm>>
    tpu.wait_indirect_dma semaphore(%arg18 : memref<!tpu.dma_semaphore, #tpu.memory_space<semaphore_mem>>) src(%dma_wait3A_192 : memref<7999488xf32, #tpu.memory_space<hbm>>) dst(%dma_wait3A_188 : memref<3328xf32, #tpu.memory_space<vmem>>)
    %scan3A = arith.constant 0 : i32
    %scan3A_193 = arith.constant 0 : i32
    %scan3A_194 = arith.constant 1664 : i32
    %scan3A_195 = arith.addi %scan3A_193, %scan3A_194 : i32
    %scan3A_196 = arith.constant 1 : i32
    scf.for %scan3A_212 = %scan3A_193 to %scan3A_195 step %scan3A_196  : i32 {
      %mul3A_213 = arith.constant 16 : i32
      %mul3A_214 = arith.muli %scan3A_212, %mul3A_213 : i32
      %get3A = arith.index_cast %mul3A_214 : i32 to index
      %get3A_215 = tpu.vector_load %arg11[%get3A] {strides = array<i32>} : memref<26624xi32, #tpu.memory_space<vmem>>, vector<16xi32>,
      %gt3A = arith.constant 0 : i32
      %gt3A_216 = vector.broadcast %gt3A : i32 to vector<16xi32>
      %gt3A_217 = arith.cmpi sgt, %get3A_215, %gt3A_216 : vector<16xi32>
      %sub3A = arith.constant 1 : i32
      %sub3A_218 = vector.broadcast %sub3A : i32 to vector<16xi32>
      %sub3A_219 = arith.subi %get3A_215, %sub3A_218 : vector<16xi32>
      %gather3A = tpu.vector_load_idx %arg15[%sub3A_219] masked %gt3A_217 : memref<512xf32, #tpu.memory_space<vmem>>[vector<16xi32>], vector<16xf32>, vector<16xi1>
      %gather3A_220 = tpu.vector_load_idx %arg16[%sub3A_219] masked %gt3A_217 : memref<512xf32, #tpu.memory_space<vmem>>[vector<16xi32>], vector<16xf32>, vector<16xi1>
      %get3A_221 = arith.index_cast %mul3A_214 : i32 to index
      %get3A_222 = tpu.vector_load %arg12[%get3A_221] {strides = array<i32>} : memref<26624xf32, #tpu.memory_space<vmem>>, vector<16xf32>,
      %select_n3A = arith.select %gt3A_217, %gather3A, %get3A_222 : vector<16xi1>, vector<16xf32>
      %swap3A = arith.index_cast %mul3A_214 : i32 to index
      %swap3A_223 = tpu.vector_load %arg12[%swap3A] {strides = array<i32>} : memref<26624xf32, #tpu.memory_space<vmem>>, vector<16xf32>,
      tpu.vector_store %arg12[%swap3A], %select_n3A {strides = array<i32>} : memref<26624xf32, #tpu.memory_space<vmem>>, vector<16xf32>,
      %get3A_224 = arith.index_cast %mul3A_214 : i32 to index
      %get3A_225 = tpu.vector_load %arg13[%get3A_224] {strides = array<i32>} : memref<26624xf32, #tpu.memory_space<vmem>>, vector<16xf32>,
      %select_n3A_226 = arith.select %gt3A_217, %gather3A_220, %get3A_225 : vector<16xi1>, vector<16xf32>
      %swap3A_227 = arith.index_cast %mul3A_214 : i32 to index
      %swap3A_228 = tpu.vector_load %arg13[%swap3A_227] {strides = array<i32>} : memref<26624xf32, #tpu.memory_space<vmem>>, vector<16xf32>,
      tpu.vector_store %arg13[%swap3A_227], %select_n3A_226 {strides = array<i32>} : memref<26624xf32, #tpu.memory_space<vmem>>, vector<16xf32>,
    }
    %scan3A_197 = arith.constant 1664 : i32
    %scan3A_198 = arith.constant 0 : i32
    %scan3A_199 = arith.constant 0 : i32
    %scan3A_200 = arith.constant 208 : i32
    %scan3A_201 = arith.addi %scan3A_199, %scan3A_200 : i32
    %scan3A_202 = arith.constant 1 : i32
    scf.for %scan3A_212 = %scan3A_199 to %scan3A_201 step %scan3A_202  : i32 {
      %mul3A_213 = arith.constant 16 : i32
      %mul3A_214 = arith.muli %scan3A_212, %mul3A_213 : i32
      %get3A = arith.index_cast %mul3A_214 : i32 to index
      %get3A_215 = tpu.vector_load %arg12[%get3A] {strides = array<i32>} : memref<26624xf32, #tpu.memory_space<vmem>>, vector<16xf32>,
      %mul3A_216 = arith.constant 16 : i32
      %mul3A_217 = arith.muli %scan3A_212, %mul3A_216 : i32
      %add3A_218 = arith.constant 3328 : i32
      %add3A_219 = arith.addi %add3A_218, %mul3A_217 : i32
      %get3A_220 = arith.index_cast %add3A_219 : i32 to index
      %get3A_221 = tpu.vector_load %arg12[%get3A_220] {strides = array<i32>} : memref<26624xf32, #tpu.memory_space<vmem>>, vector<16xf32>,
      %add3A_222 = arith.addf %get3A_215, %get3A_221 : vector<16xf32>
      %mul3A_223 = arith.constant 16 : i32
      %mul3A_224 = arith.muli %scan3A_212, %mul3A_223 : i32
      %add3A_225 = arith.constant 6656 : i32
      %add3A_226 = arith.addi %add3A_225, %mul3A_224 : i32
      %get3A_227 = arith.index_cast %add3A_226 : i32 to index
      %get3A_228 = tpu.vector_load %arg12[%get3A_227] {strides = array<i32>} : memref<26624xf32, #tpu.memory_space<vmem>>, vector<16xf32>,
      %add3A_229 = arith.addf %add3A_222, %get3A_228 : vector<16xf32>
      %mul3A_230 = arith.constant 16 : i32
      %mul3A_231 = arith.muli %scan3A_212, %mul3A_230 : i32
      %add3A_232 = arith.constant 9984 : i32
      %add3A_233 = arith.addi %add3A_232, %mul3A_231 : i32
      %get3A_234 = arith.index_cast %add3A_233 : i32 to index
      %get3A_235 = tpu.vector_load %arg12[%get3A_234] {strides = array<i32>} : memref<26624xf32, #tpu.memory_space<vmem>>, vector<16xf32>,
      %add3A_236 = arith.addf %add3A_229, %get3A_235 : vector<16xf32>
      %mul3A_237 = arith.constant 16 : i32
      %mul3A_238 = arith.muli %scan3A_212, %mul3A_237 : i32
      %add3A_239 = arith.constant 13312 : i32
      %add3A_240 = arith.addi %add3A_239, %mul3A_238 : i32
      %get3A_241 = arith.index_cast %add3A_240 : i32 to index
      %get3A_242 = tpu.vector_load %arg12[%get3A_241] {strides = array<i32>} : memref<26624xf32, #tpu.memory_space<vmem>>, vector<16xf32>,
      %add3A_243 = arith.addf %add3A_236, %get3A_242 : vector<16xf32>
      %mul3A_244 = arith.constant 16 : i32
      %mul3A_245 = arith.muli %scan3A_212, %mul3A_244 : i32
      %add3A_246 = arith.constant 16640 : i32
      %add3A_247 = arith.addi %add3A_246, %mul3A_245 : i32
      %get3A_248 = arith.index_cast %add3A_247 : i32 to index
      %get3A_249 = tpu.vector_load %arg12[%get3A_248] {strides = array<i32>} : memref<26624xf32, #tpu.memory_space<vmem>>, vector<16xf32>,
      %add3A_250 = arith.addf %add3A_243, %get3A_249 : vector<16xf32>
      %mul3A_251 = arith.constant 16 : i32
      %mul3A_252 = arith.muli %scan3A_212, %mul3A_251 : i32
      %add3A_253 = arith.constant 19968 : i32
      %add3A_254 = arith.addi %add3A_253, %mul3A_252 : i32
      %get3A_255 = arith.index_cast %add3A_254 : i32 to index
      %get3A_256 = tpu.vector_load %arg12[%get3A_255] {strides = array<i32>} : memref<26624xf32, #tpu.memory_space<vmem>>, vector<16xf32>,
      %add3A_257 = arith.addf %add3A_250, %get3A_256 : vector<16xf32>
      %mul3A_258 = arith.constant 16 : i32
      %mul3A_259 = arith.muli %scan3A_212, %mul3A_258 : i32
      %add3A_260 = arith.constant 23296 : i32
      %add3A_261 = arith.addi %add3A_260, %mul3A_259 : i32
      %get3A_262 = arith.index_cast %add3A_261 : i32 to index
      %get3A_263 = tpu.vector_load %arg12[%get3A_262] {strides = array<i32>} : memref<26624xf32, #tpu.memory_space<vmem>>, vector<16xf32>,
      %add3A_264 = arith.addf %add3A_257, %get3A_263 : vector<16xf32>
      %swap3A = arith.index_cast %mul3A_214 : i32 to index
      %swap3A_265 = tpu.vector_load %arg14[%swap3A] {strides = array<i32>} : memref<3328xf32, #tpu.memory_space<vmem>>, vector<16xf32>,
      tpu.vector_store %arg14[%swap3A], %add3A_264 {strides = array<i32>} : memref<3328xf32, #tpu.memory_space<vmem>>, vector<16xf32>,
    }
    %scan3A_203 = arith.constant 208 : i32
    %mul3A_204 = arith.constant 3328 : i32
    %mul3A_205 = arith.muli %add3A, %mul3A_204 : i32
    "tpu.region"() ({
      %run_scoped3A = tpu.sem_alloc : memref<!tpu.dma_semaphore, #tpu.memory_space<semaphore_mem>>
      %dma_start3A_212 = tpu.memref_slice %arg8[%mul3A_205] : memref<106496xf32, #tpu.memory_space<hbm>> -> memref<3328xf32, #tpu.memory_space<hbm>>
      %dma_start3A_213 = tpu.memref_slice %arg8[%mul3A_205] : memref<106496xf32, #tpu.memory_space<hbm>> -> memref<3328xf32, #tpu.memory_space<hbm>>
      tpu.enqueue_dma source(%arg14 : memref<3328xf32, #tpu.memory_space<vmem>>) target(%dma_start3A_213 : memref<3328xf32, #tpu.memory_space<hbm>>) target_semaphore(%run_scoped3A : memref<!tpu.dma_semaphore, #tpu.memory_space<semaphore_mem>>)
      %dma_wait3A_214 = tpu.memref_slice %arg8[%mul3A_205] : memref<106496xf32, #tpu.memory_space<hbm>> -> memref<3328xf32, #tpu.memory_space<hbm>>
      %dma_wait3A_215 = tpu.memref_slice %arg8[%mul3A_205] : memref<106496xf32, #tpu.memory_space<hbm>> -> memref<3328xf32, #tpu.memory_space<hbm>>
      tpu.wait_dma2 semaphore(%run_scoped3A : memref<!tpu.dma_semaphore, #tpu.memory_space<semaphore_mem>>) src(%arg14 : memref<3328xf32, #tpu.memory_space<vmem>>) dst(%dma_wait3A_215 : memref<3328xf32, #tpu.memory_space<hbm>>)
      tpu.yield
    }) : () -> ()
    %iota3A = tpu.iota {dimensions = array<i32: 0>} : vector<16xi32>
    %scan3A_206 = arith.constant 0 : i32
    %scan3A_207 = arith.constant 0 : i32
    %scan3A_208 = arith.constant 1664 : i32
    %scan3A_209 = arith.addi %scan3A_207, %scan3A_208 : i32
    %scan3A_210 = arith.constant 1 : i32
    scf.for %scan3A_212 = %scan3A_207 to %scan3A_209 step %scan3A_210  : i32 {
      %mul3A_213 = arith.constant 16 : i32
      %mul3A_214 = arith.muli %scan3A_212, %mul3A_213 : i32
      %add3A_215 = vector.broadcast %mul3A_214 : i32 to vector<16xi32>
      %add3A_216 = arith.addi %iota3A, %add3A_215 : vector<16xi32>
      %and3A = arith.constant 7 : i32
      %and3A_217 = vector.broadcast %and3A : i32 to vector<16xi32>
      %and3A_218 = arith.andi %add3A_216, %and3A_217 : vector<16xi32>
      %mul3A_219 = arith.constant 3328 : i32
      %mul3A_220 = vector.broadcast %mul3A_219 : i32 to vector<16xi32>
      %mul3A_221 = arith.muli %and3A_218, %mul3A_220 : vector<16xi32>
      %shift_right_arithmetic3A = arith.constant 3 : i32
      %shift_right_arithmetic3A_222 = vector.broadcast %shift_right_arithmetic3A : i32 to vector<16xi32>
      %shift_right_arithmetic3A_223 = arith.shrsi %add3A_216, %shift_right_arithmetic3A_222 : vector<16xi32>
      %add3A_224 = arith.addi %mul3A_221, %shift_right_arithmetic3A_223 : vector<16xi32>
      %gather3A = tpu.vector_load_idx %arg13[%add3A_224] : memref<26624xf32, #tpu.memory_space<vmem>>[vector<16xi32>], vector<16xf32>,
      %mul3A_225 = arith.constant 16 : i32
      %mul3A_226 = arith.muli %scan3A_212, %mul3A_225 : i32
      %swap3A = arith.index_cast %mul3A_226 : i32 to index
      %swap3A_227 = tpu.vector_load %arg12[%swap3A] {strides = array<i32>} : memref<26624xf32, #tpu.memory_space<vmem>>, vector<16xf32>,
      tpu.vector_store %arg12[%swap3A], %gather3A {strides = array<i32>} : memref<26624xf32, #tpu.memory_space<vmem>>, vector<16xf32>,
    }
    %scan3A_211 = arith.constant 1664 : i32
    "tpu.region"() ({
      %run_scoped3A = tpu.sem_alloc : memref<!tpu.dma_semaphore, #tpu.memory_space<semaphore_mem>>
      %dma_start3A_212 = tpu.memref_slice %arg9[%mul3A_2] : memref<851968xf32, #tpu.memory_space<hbm>> -> memref<26624xf32, #tpu.memory_space<hbm>>
      %dma_start3A_213 = tpu.memref_slice %arg9[%mul3A_2] : memref<851968xf32, #tpu.memory_space<hbm>> -> memref<26624xf32, #tpu.memory_space<hbm>>
      tpu.enqueue_dma source(%arg12 : memref<26624xf32, #tpu.memory_space<vmem>>) target(%dma_start3A_213 : memref<26624xf32, #tpu.memory_space<hbm>>) target_semaphore(%run_scoped3A : memref<!tpu.dma_semaphore, #tpu.memory_space<semaphore_mem>>)
      %dma_wait3A_214 = tpu.memref_slice %arg9[%mul3A_2] : memref<851968xf32, #tpu.memory_space<hbm>> -> memref<26624xf32, #tpu.memory_space<hbm>>
      %dma_wait3A_215 = tpu.memref_slice %arg9[%mul3A_2] : memref<851968xf32, #tpu.memory_space<hbm>> -> memref<26624xf32, #tpu.memory_space<hbm>>
      tpu.wait_dma2 semaphore(%run_scoped3A : memref<!tpu.dma_semaphore, #tpu.memory_space<semaphore_mem>>) src(%arg12 : memref<26624xf32, #tpu.memory_space<vmem>>) dst(%dma_wait3A_215 : memref<26624xf32, #tpu.memory_space<hbm>>)
      tpu.yield
    }) : () -> ()
    return
  }
}

module attributes {stable_mosaic.version = 14 : i64} {
  func.func @_tc_mlp_kernel(%arg0: i32, %arg1: memref<1024x208xf32, #tpu.memory_space<vmem>>, %arg2: memref<1024x26xf32, #tpu.memory_space<vmem>>, %arg3: memref<1x208xf32, #tpu.memory_space<vmem>>, %arg4: memref<1x208xf32, #tpu.memory_space<vmem>>, %arg5: memref<208x512xf32, #tpu.memory_space<vmem>>, %arg6: memref<1x512xf32, #tpu.memory_space<vmem>>, %arg7: memref<512x256xf32, #tpu.memory_space<vmem>>, %arg8: memref<1x256xf32, #tpu.memory_space<vmem>>, %arg9: memref<256x128xf32, #tpu.memory_space<vmem>>, %arg10: memref<1x128xf32, #tpu.memory_space<vmem>>, %arg11: memref<1x128xf32, #tpu.memory_space<vmem>>, %arg12: memref<1x1xf32, #tpu.memory_space<vmem>>, %arg13: memref<1024x1xf32, #tpu.memory_space<vmem>>) attributes {dimension_semantics = [#tpu.dimension_semantics<arbitrary>], iteration_bounds = array<i64: 4>, scalar_prefetch = 0 : i64, scratch_operands = 0 : i64, tpu.core_type = #tpu.core_type<tc>, window_params = [{transform_indices = @transform_0, window_bounds = array<i64: 1024, 208>}, {transform_indices = @transform_1, window_bounds = array<i64: 1024, 26>}, {pipeline_mode = #tpu.pipeline_mode<synchronous>, transform_indices = @transform_2, window_bounds = array<i64: 1, 208>}, {pipeline_mode = #tpu.pipeline_mode<synchronous>, transform_indices = @transform_3, window_bounds = array<i64: 1, 208>}, {pipeline_mode = #tpu.pipeline_mode<synchronous>, transform_indices = @transform_4, window_bounds = array<i64: 208, 512>}, {pipeline_mode = #tpu.pipeline_mode<synchronous>, transform_indices = @transform_5, window_bounds = array<i64: 1, 512>}, {pipeline_mode = #tpu.pipeline_mode<synchronous>, transform_indices = @transform_6, window_bounds = array<i64: 512, 256>}, {pipeline_mode = #tpu.pipeline_mode<synchronous>, transform_indices = @transform_7, window_bounds = array<i64: 1, 256>}, {pipeline_mode = #tpu.pipeline_mode<synchronous>, transform_indices = @transform_8, window_bounds = array<i64: 256, 128>}, {pipeline_mode = #tpu.pipeline_mode<synchronous>, transform_indices = @transform_9, window_bounds = array<i64: 1, 128>}, {pipeline_mode = #tpu.pipeline_mode<synchronous>, transform_indices = @transform_10, window_bounds = array<i64: 1, 128>}, {pipeline_mode = #tpu.pipeline_mode<synchronous>, transform_indices = @transform_11, window_bounds = array<i64: 1, 1>}, {transform_indices = @transform_12, window_bounds = array<i64: 1024, 1>}]} {
    %get3A = arith.constant 0 : index
    %get3A_0 = arith.constant 0 : index
    %get3A_1 = vector.load %arg2[%get3A, %get3A_0] : memref<1024x26xf32, #tpu.memory_space<vmem>>, vector<1024x26xf32>
    %reduce_sum3A = arith.constant dense<0.000000e+00> : vector<1024xf32>
    %reduce_sum3A_2 = vector.multi_reduction <add>, %get3A_1, %reduce_sum3A [1] : vector<1024x26xf32> to vector<1024xf32>
    %broadcast_in_dim3A = vector.shape_cast %reduce_sum3A_2 : vector<1024xf32> to vector<1024x1xf32>
    %get3A_3 = arith.constant 0 : index
    %get3A_4 = arith.constant 0 : index
    %get3A_5 = vector.load %arg1[%get3A_3, %get3A_4] : memref<1024x208xf32, #tpu.memory_space<vmem>>, vector<1024x208xf32>
    %reduce_sum3A_6 = arith.constant dense<0.000000e+00> : vector<1024xf32>
    %reduce_sum3A_7 = vector.multi_reduction <add>, %get3A_5, %reduce_sum3A_6 [1] : vector<1024x208xf32> to vector<1024xf32>
    %broadcast_in_dim3A_8 = vector.shape_cast %reduce_sum3A_7 : vector<1024xf32> to vector<1024x1xf32>
    %div3A = arith.constant 2.080000e+02 : f32
    %div3A_9 = vector.broadcast %div3A : f32 to vector<1024x1xf32>
    %div3A_10 = arith.divf %broadcast_in_dim3A_8, %div3A_9 : vector<1024x1xf32>
    %sub3A = vector.broadcast %div3A_10 : vector<1024x1xf32> to vector<1024x208xf32>
    %sub3A_11 = arith.subf %get3A_5, %sub3A : vector<1024x208xf32>
    %square3A = arith.mulf %sub3A_11, %sub3A_11 : vector<1024x208xf32>
    %reduce_sum3A_12 = arith.constant dense<0.000000e+00> : vector<1024xf32>
    %reduce_sum3A_13 = vector.multi_reduction <add>, %square3A, %reduce_sum3A_12 [1] : vector<1024x208xf32> to vector<1024xf32>
    %broadcast_in_dim3A_14 = vector.shape_cast %reduce_sum3A_13 : vector<1024xf32> to vector<1024x1xf32>
    %div3A_15 = arith.constant 2.080000e+02 : f32
    %div3A_16 = vector.broadcast %div3A_15 : f32 to vector<1024x1xf32>
    %div3A_17 = arith.divf %broadcast_in_dim3A_14, %div3A_16 : vector<1024x1xf32>
    %sub3A_18 = vector.broadcast %div3A_10 : vector<1024x1xf32> to vector<1024x208xf32>
    %sub3A_19 = arith.subf %get3A_5, %sub3A_18 : vector<1024x208xf32>
    %add3A = arith.constant 9.99999974E-6 : f32
    %add3A_20 = vector.broadcast %add3A : f32 to vector<1024x1xf32>
    %add3A_21 = arith.addf %div3A_17, %add3A_20 : vector<1024x1xf32>
    %rsqrt3A = math.rsqrt %add3A_21 : vector<1024x1xf32>
    %mul3A = vector.broadcast %rsqrt3A : vector<1024x1xf32> to vector<1024x208xf32>
    %mul3A_22 = arith.mulf %sub3A_19, %mul3A : vector<1024x208xf32>
    %get3A_23 = arith.constant 0 : index
    %get3A_24 = arith.constant 0 : index
    %get3A_25 = vector.load %arg3[%get3A_23, %get3A_24] : memref<1x208xf32, #tpu.memory_space<vmem>>, vector<1x208xf32>
    %mul3A_26 = vector.broadcast %get3A_25 : vector<1x208xf32> to vector<1024x208xf32>
    %mul3A_27 = arith.mulf %mul3A_22, %mul3A_26 : vector<1024x208xf32>
    %get3A_28 = arith.constant 0 : index
    %get3A_29 = arith.constant 0 : index
    %get3A_30 = vector.load %arg4[%get3A_28, %get3A_29] : memref<1x208xf32, #tpu.memory_space<vmem>>, vector<1x208xf32>
    %add3A_31 = vector.broadcast %get3A_30 : vector<1x208xf32> to vector<1024x208xf32>
    %add3A_32 = arith.addf %mul3A_27, %add3A_31 : vector<1024x208xf32>
    %get3A_33 = arith.constant 0 : index
    %get3A_34 = arith.constant 0 : index
    %get3A_35 = vector.load %arg5[%get3A_33, %get3A_34] : memref<208x512xf32, #tpu.memory_space<vmem>>, vector<208x512xf32>
    %dot_general3A = arith.constant dense<0.000000e+00> : vector<1024x512xf32>
    %dot_general3A_36 = tpu.matmul %add3A_32, %get3A_35, %dot_general3A {dimension_numbers = #tpu.dot_dimension_numbers<[1], [0], [0], [1], [0, 0, 1, 1], [], []>, transpose_lhs_hint = false} : vector<1024x208xf32>, vector<208x512xf32>, vector<1024x512xf32> -> vector<1024x512xf32>
    %get3A_37 = arith.constant 0 : index
    %get3A_38 = arith.constant 0 : index
    %get3A_39 = vector.load %arg6[%get3A_37, %get3A_38] : memref<1x512xf32, #tpu.memory_space<vmem>>, vector<1x512xf32>
    %add3A_40 = vector.broadcast %get3A_39 : vector<1x512xf32> to vector<1024x512xf32>
    %add3A_41 = arith.addf %dot_general3A_36, %add3A_40 : vector<1024x512xf32>
    %max3A = arith.constant 0.000000e+00 : f32
    %max3A_42 = vector.broadcast %max3A : f32 to vector<1024x512xf32>
    %max3A_43 = arith.maximumf %add3A_41, %max3A_42 : vector<1024x512xf32>
    %get3A_44 = arith.constant 0 : index
    %get3A_45 = arith.constant 0 : index
    %get3A_46 = vector.load %arg7[%get3A_44, %get3A_45] : memref<512x256xf32, #tpu.memory_space<vmem>>, vector<512x256xf32>
    %dot_general3A_47 = arith.constant dense<0.000000e+00> : vector<1024x256xf32>
    %dot_general3A_48 = tpu.matmul %max3A_43, %get3A_46, %dot_general3A_47 {dimension_numbers = #tpu.dot_dimension_numbers<[1], [0], [0], [1], [0, 0, 1, 1], [], []>, transpose_lhs_hint = false} : vector<1024x512xf32>, vector<512x256xf32>, vector<1024x256xf32> -> vector<1024x256xf32>
    %get3A_49 = arith.constant 0 : index
    %get3A_50 = arith.constant 0 : index
    %get3A_51 = vector.load %arg8[%get3A_49, %get3A_50] : memref<1x256xf32, #tpu.memory_space<vmem>>, vector<1x256xf32>
    %add3A_52 = vector.broadcast %get3A_51 : vector<1x256xf32> to vector<1024x256xf32>
    %add3A_53 = arith.addf %dot_general3A_48, %add3A_52 : vector<1024x256xf32>
    %max3A_54 = arith.constant 0.000000e+00 : f32
    %max3A_55 = vector.broadcast %max3A_54 : f32 to vector<1024x256xf32>
    %max3A_56 = arith.maximumf %add3A_53, %max3A_55 : vector<1024x256xf32>
    %get3A_57 = arith.constant 0 : index
    %get3A_58 = arith.constant 0 : index
    %get3A_59 = vector.load %arg9[%get3A_57, %get3A_58] : memref<256x128xf32, #tpu.memory_space<vmem>>, vector<256x128xf32>
    %dot_general3A_60 = arith.constant dense<0.000000e+00> : vector<1024x128xf32>
    %dot_general3A_61 = tpu.matmul %max3A_56, %get3A_59, %dot_general3A_60 {dimension_numbers = #tpu.dot_dimension_numbers<[1], [0], [0], [1], [0, 0, 1, 1], [], []>, transpose_lhs_hint = false} : vector<1024x256xf32>, vector<256x128xf32>, vector<1024x128xf32> -> vector<1024x128xf32>
    %get3A_62 = arith.constant 0 : index
    %get3A_63 = arith.constant 0 : index
    %get3A_64 = vector.load %arg10[%get3A_62, %get3A_63] : memref<1x128xf32, #tpu.memory_space<vmem>>, vector<1x128xf32>
    %add3A_65 = vector.broadcast %get3A_64 : vector<1x128xf32> to vector<1024x128xf32>
    %add3A_66 = arith.addf %dot_general3A_61, %add3A_65 : vector<1024x128xf32>
    %max3A_67 = arith.constant 0.000000e+00 : f32
    %max3A_68 = vector.broadcast %max3A_67 : f32 to vector<1024x128xf32>
    %max3A_69 = arith.maximumf %add3A_66, %max3A_68 : vector<1024x128xf32>
    %get3A_70 = arith.constant 0 : index
    %get3A_71 = arith.constant 0 : index
    %get3A_72 = vector.load %arg11[%get3A_70, %get3A_71] : memref<1x128xf32, #tpu.memory_space<vmem>>, vector<1x128xf32>
    %mul3A_73 = vector.broadcast %get3A_72 : vector<1x128xf32> to vector<1024x128xf32>
    %mul3A_74 = arith.mulf %max3A_69, %mul3A_73 : vector<1024x128xf32>
    %reduce_sum3A_75 = arith.constant dense<0.000000e+00> : vector<1024xf32>
    %reduce_sum3A_76 = vector.multi_reduction <add>, %mul3A_74, %reduce_sum3A_75 [1] : vector<1024x128xf32> to vector<1024xf32>
    %broadcast_in_dim3A_77 = vector.shape_cast %reduce_sum3A_76 : vector<1024xf32> to vector<1024x1xf32>
    %get3A_78 = arith.constant 0 : index
    %get3A_79 = arith.constant 0 : index
    %get3A_80 = vector.load %arg12[%get3A_78, %get3A_79] : memref<1x1xf32, #tpu.memory_space<vmem>>, vector<1x1xf32>
    %add3A_81 = vector.broadcast %get3A_80 : vector<1x1xf32> to vector<1024x1xf32>
    %add3A_82 = arith.addf %broadcast_in_dim3A_77, %add3A_81 : vector<1024x1xf32>
    %add3A_83 = arith.addf %broadcast_in_dim3A, %add3A_82 : vector<1024x1xf32>
    %logistic3A = arith.negf %add3A_83 : vector<1024x1xf32>
    %logistic3A_84 = math.exp %logistic3A : vector<1024x1xf32>
    %logistic3A_85 = arith.constant 1.000000e+00 : f32
    %logistic3A_86 = vector.broadcast %logistic3A_85 : f32 to vector<1024x1xf32>
    %logistic3A_87 = arith.addf %logistic3A_86, %logistic3A_84 : vector<1024x1xf32>
    %logistic3A_88 = arith.divf %logistic3A_86, %logistic3A_87 : vector<1024x1xf32>
    %swap3A = arith.constant 0 : index
    %swap3A_89 = arith.constant 0 : index
    %swap3A_90 = vector.load %arg13[%swap3A, %swap3A_89] : memref<1024x1xf32, #tpu.memory_space<vmem>>, vector<1024x1xf32>
    tpu.vector_store %arg13[%swap3A, %swap3A_89], %logistic3A_88 {strides = array<i32>} : memref<1024x1xf32, #tpu.memory_space<vmem>>, vector<1024x1xf32>,
    return
  }
  func.func @transform_0(%arg0: i32) -> (i32, i32) {
    %c0_i32 = arith.constant 0 : i32
    %c0_i32_0 = arith.constant 0 : i32
    return %arg0, %c0_i32 : i32, i32
  }
  func.func @transform_1(%arg0: i32) -> (i32, i32) {
    %c0_i32 = arith.constant 0 : i32
    %c0_i32_0 = arith.constant 0 : i32
    return %arg0, %c0_i32 : i32, i32
  }
  func.func @transform_2(%arg0: i32) -> (i32, i32) {
    %c0_i32 = arith.constant 0 : i32
    %c0_i32_0 = arith.constant 0 : i32
    %c0_i32_1 = arith.constant 0 : i32
    return %c0_i32, %c0_i32_0 : i32, i32
  }
  func.func @transform_3(%arg0: i32) -> (i32, i32) {
    %c0_i32 = arith.constant 0 : i32
    %c0_i32_0 = arith.constant 0 : i32
    %c0_i32_1 = arith.constant 0 : i32
    return %c0_i32, %c0_i32_0 : i32, i32
  }
  func.func @transform_4(%arg0: i32) -> (i32, i32) {
    %c0_i32 = arith.constant 0 : i32
    %c0_i32_0 = arith.constant 0 : i32
    %c0_i32_1 = arith.constant 0 : i32
    return %c0_i32, %c0_i32_0 : i32, i32
  }
  func.func @transform_5(%arg0: i32) -> (i32, i32) {
    %c0_i32 = arith.constant 0 : i32
    %c0_i32_0 = arith.constant 0 : i32
    %c0_i32_1 = arith.constant 0 : i32
    return %c0_i32, %c0_i32_0 : i32, i32
  }
  func.func @transform_6(%arg0: i32) -> (i32, i32) {
    %c0_i32 = arith.constant 0 : i32
    %c0_i32_0 = arith.constant 0 : i32
    %c0_i32_1 = arith.constant 0 : i32
    return %c0_i32, %c0_i32_0 : i32, i32
  }
  func.func @transform_7(%arg0: i32) -> (i32, i32) {
    %c0_i32 = arith.constant 0 : i32
    %c0_i32_0 = arith.constant 0 : i32
    %c0_i32_1 = arith.constant 0 : i32
    return %c0_i32, %c0_i32_0 : i32, i32
  }
  func.func @transform_8(%arg0: i32) -> (i32, i32) {
    %c0_i32 = arith.constant 0 : i32
    %c0_i32_0 = arith.constant 0 : i32
    %c0_i32_1 = arith.constant 0 : i32
    return %c0_i32, %c0_i32_0 : i32, i32
  }
  func.func @transform_9(%arg0: i32) -> (i32, i32) {
    %c0_i32 = arith.constant 0 : i32
    %c0_i32_0 = arith.constant 0 : i32
    %c0_i32_1 = arith.constant 0 : i32
    return %c0_i32, %c0_i32_0 : i32, i32
  }
  func.func @transform_10(%arg0: i32) -> (i32, i32) {
    %c0_i32 = arith.constant 0 : i32
    %c0_i32_0 = arith.constant 0 : i32
    %c0_i32_1 = arith.constant 0 : i32
    return %c0_i32, %c0_i32_0 : i32, i32
  }
  func.func @transform_11(%arg0: i32) -> (i32, i32) {
    %c0_i32 = arith.constant 0 : i32
    %c0_i32_0 = arith.constant 0 : i32
    %c0_i32_1 = arith.constant 0 : i32
    return %c0_i32, %c0_i32_0 : i32, i32
  }
  func.func @transform_12(%arg0: i32) -> (i32, i32) {
    %c0_i32 = arith.constant 0 : i32
    %c0_i32_0 = arith.constant 0 : i32
    return %arg0, %c0_i32 : i32, i32
  }
}

</mosaic_0001>

<sc_bundles>
// kernel: kernel.4.cloned.1.call-start
scs
__scs_entry_jumppad:
0x0: {  	(pc) =	sbr.rel $0x88, $3  }
0x1: {  	(tag) =	ssettag $0x0;
	lr =	simm.s32 $0x1  }
0x2: {  	[smem:$0x3F94] =	sst lr;
	_ =	strace $0xD0000000  }
0x3: {  	_ = 	snop  }
0x4: {  	_ = 	snop  }
0x5: {  	_ = 	snop  }
0x6: {  	_ = 	snop  }
0x7: {  	_ = 	snop  }
__scs_overlays_trampoline_lowered:
0x8: {  	[smem:$0x3FA3] =	sst s0  }
0x9: {  	[smem:$0x3FA4] =	sst s1  }
0xa: {  	[smem:$0x3FA5] =	sst s2  }
0xb: {  	[smem:$0x3FA6] =	sst s3  }
0xc: {  	[smem:$0x3FA7] =	sst s4  }
0xd: {  	[smem:$0x3FA8] =	sst s5  }
0xe: {  	[smem:$0x3FA9] =	sst s6  }
0xf: {  	[smem:$0x3FAA] =	sst s7  }
0x10: {  	[smem:$0x3FAB] =	sst s8  }
0x11: {  	[smem:$0x3FAC] =	sst s9;
	s0 =	simm.s32 @!p0 $0x0  }
0x12: {  	s1 =	sld [smem:$0x3F92];
	s0 =	simm.s32 @p0 $0x1  }
0x13: {  	[smem:$0x3FAD] =	sst s0;
	s0 =	simm.s32 @!p1 $0x0  }
0x14: {  	s2 =	sld [smem:$0x3F91];
	s0 =	simm.s32 @p1 $0x1  }
0x15: {  	[smem:$0x3FAE] =	sst s0;
	s0 =	simm.s32 @!p2 $0x0  }
0x16: {  	s3 =	sld [smem:$0x3FDB];
	s0 =	simm.s32 @p2 $0x1  }
0x17: {  	s4 =	simm.s32 $0x1BF5;
	[smem:$0x3FB0] =	sst s0  }
0x18: {  	s0 =	sld [smem:$0x3F93];
	_ =	swait.ge [sflag:s4], $0x0  }
0x19: {  	s7 =	sld [smem:$0x3F94]  }
0x1a: {  	s8 =	sadd.s32 $0xFFFFE003, lr  }
0x1b: {  	s9 =	sadd.s32 $0xFFFFFEF7, lr;
	s5 =	simm.s32 $0xFFFFFFFF;
	p2 =	slt.u32 s8, $0xFFFFF086  }
0x1c: {  	p1 =	slt.u32 s9, $0xF7A;
	s5 =	simm.s32 @!p2 $0x0  }
0x1d: {  	s5 =	simm.s32 @p1 $0x1;
	p0 =	seq.s32 s7, s2  }
0x1e: {  	s7 =	smul.u32 @!p0 $0xF7A, s2;
	p2 =	seq.s32 @!p0 s5, $0x0  }
0x1f: {  	s9 =	smul.u32 $0xF7A, s1;
	s8 =	simm.s32 @!p0 $0x1BF5;
	p2 =	por !p2, p0  }
0x20: {  	[sflag:s8] =	ssyncset.s32 @!p0 $0xFFFFF086;
	s6 =	sadd.s32 @!p0 s3, s7;
	s7 =	simm.s32 @!p0 $0x108  }
0x21: {  	s3 =	sadd.s32 s3, s9;
	s6 =	sadd.s32 @!p0 $0x88, s6;
	s7 =	simm.s32 @p2 $0x1082  }
0x22: {  	[simem:s7], [sflag:s8] =	dma.local @!p0 [hbm:s6], $0xF7A  }
0x23: {  	s9 =	sor.u32 $0xD0000000, s2;
	s6 =	simm.s32 $0x108;
	_ =	swait.ge @!p0 [sflag:s8], $0x0  }
0x24: {  	s3 =	sadd.s32 $0x88, s3;
	s6 =	simm.s32 @!p1 $0x1082;
	[sflag:s4] =	ssyncset.s32 $0xFFFFF086  }
0x25: {  	[simem:s6], [sflag:s4] =	dma.local [hbm:s3], $0xF7A  }
0x26: {  	[smem:$0x3F94] =	sst s1;
	(tag) =	ssettag s2;
	_ =	strace s9  }
0x27: {  	s1 =	sld [smem:$0x3FA4]  }
0x28: {  	s2 =	sld [smem:$0x3FA5]  }
0x29: {  	s4 =	sld [smem:$0x3FA7]  }
0x2a: {  	p0 =	seq.s32 s5, $0x0;
	s5 =	sld [smem:$0x3FA8]  }
0x2b: {  	s6 =	sld [smem:$0x3FA9]  }
0x2c: {  	s7 =	sld [smem:$0x3FAA]  }
0x2d: {  	s3 =	simm.s32 $0x108;
	s8 =	sld [smem:$0x3FAB]  }
0x2e: {  	s3 =	simm.s32 @!p0 $0x1082;
	s9 =	sld [smem:$0x3FAC]  }
0x2f: {  	lr =	sadd.s32 s0, s3;
	s0 =	sld [smem:$0x3FA3]  }
0x30: {  	s3 =	sld [smem:$0x3FA6]  }
0x31: {  	[smem:$0x3FAF] =	sst s10  }
0x32: {  	s10 =	sld [smem:$0x3FAD];
	_ =	sdelay $0x3  }
0x33: {  	p0 =	seq.s32 s10, $0x1;
	s10 =	sld [smem:$0x3FAF];
	_ =	sdelay $0x3  }
0x34: {  	[smem:$0x3FAF] =	sst s10  }
0x35: {  	s10 =	sld [smem:$0x3FAE];
	_ =	sdelay $0x3  }
0x36: {  	p1 =	seq.s32 s10, $0x1;
	s10 =	sld [smem:$0x3FAF];
	_ =	sdelay $0x3  }
0x37: {  	[smem:$0x3FAF] =	sst s10  }
0x38: {  	s10 =	sld [smem:$0x3FB0]  }
0x39: {  	_ = 	snop;
	(pc) =	sbr.ind lr, $3  }
0x3a: {  	_ = 	snop  }
0x3b: {  	_ = 	snop  }
0x3c: {  	p2 =	seq.s32 s10, $0x1;
	s10 =	sld [smem:$0x3FAF]  }
0x3d: {  	_ =	shalt  }
0x3e: {  	_ =	shalt  }
0x3f: {  	_ =	shalt  }
0x40: {  	_ =	shalt  }
0x41: {  	_ =	shalt  }
0x42: {  	_ =	shalt  }
0x43: {  	_ =	shalt  }
0x44: {  	_ =	shalt  }
0x45: {  	_ =	shalt  }
0x46: {  	_ =	shalt  }
0x47: {  	_ =	shalt  }
0x48: {  	_ =	shalt  }
0x49: {  	_ =	shalt  }
0x4a: {  	_ =	shalt  }
0x4b: {  	_ =	shalt  }
0x4c: {  	_ =	shalt  }
0x4d: {  	_ =	shalt  }
0x4e: {  	_ =	shalt  }
0x4f: {  	_ =	shalt  }
0x50: {  	_ =	shalt  }
0x51: {  	_ =	shalt  }
0x52: {  	_ =	shalt  }
0x53: {  	_ =	shalt  }
0x54: {  	_ =	shalt  }
0x55: {  	_ =	shalt  }
0x56: {  	_ =	shalt  }
0x57: {  	_ =	shalt  }
0x58: {  	_ =	shalt  }
0x59: {  	_ =	shalt  }
0x5a: {  	_ =	shalt  }
0x5b: {  	_ =	shalt  }
0x5c: {  	_ =	shalt  }
0x5d: {  	_ =	shalt  }
0x5e: {  	_ =	shalt  }
0x5f: {  	_ =	shalt  }
0x60: {  	_ =	shalt  }
0x61: {  	_ =	shalt  }
0x62: {  	_ =	shalt  }
0x63: {  	_ =	shalt  }
0x64: {  	_ =	shalt  }
0x65: {  	_ =	shalt  }
0x66: {  	_ =	shalt  }
0x67: {  	_ =	shalt  }
0x68: {  	_ =	shalt  }
0x69: {  	_ =	shalt  }
0x6a: {  	_ =	shalt  }
0x6b: {  	_ =	shalt  }
0x6c: {  	_ =	shalt  }
0x6d: {  	_ =	shalt  }
0x6e: {  	_ =	shalt  }
0x6f: {  	_ =	shalt  }
0x70: {  	_ =	shalt  }
0x71: {  	_ =	shalt  }
0x72: {  	_ =	shalt  }
0x73: {  	_ =	shalt  }
0x74: {  	_ =	shalt  }
0x75: {  	_ =	shalt  }
0x76: {  	_ =	shalt  }
0x77: {  	_ =	shalt  }
0x78: {  	_ =	shalt  }
0x79: {  	_ =	shalt  }
0x7a: {  	_ =	shalt  }
0x7b: {  	_ =	shalt  }
0x7c: {  	_ =	shalt  }
0x7d: {  	_ =	shalt  }
0x7e: {  	_ =	shalt  }
0x7f: {  	_ =	shalt  }
0x80: {  	_ =	shalt  }
0x81: {  	_ =	shalt  }
0x82: {  	_ =	shalt  }
0x83: {  	_ =	shalt  }
0x84: {  	_ =	shalt  }
0x85: {  	_ =	shalt  }
0x86: {  	_ =	shalt  }
0x87: {  	_ =	shalt  }
.Lfunc_end0:
.L_simem_size_0:
called_computation_lowered:
.L_overlay_start_0:
0x88: {  	s2 =	sld [smem:$0x3FD9]  }
0x89: {  	s3 =	sld [smem:$0x3FFE];
	_ =	sdelay $0x1  }
0x8a: {  	s1 =	srdreg.scid  }
0x8b: {  	s0 =	sand.u32 $0x1, s1  }
0x8c: {  	s17 =	sshll.u32 s0, $0xA;
	s2 =	sadd.s32 s3, s2  }
0x8d: {  	s2 =	sadd.s32 s2, s17  }
0x8e: {  	[smem:$0x3FBB] =	sst s2  }
0x8f: {  	_ = 	snop  }
0x90: {  	s2 =	sld [smem:$0x3FD0];
	(tm) =	ssettm $0x1  }
0x91: {  	s18 =	sld [smem:$0x3FFB];
	_ =	sdelay $0x3  }
0x92: {  	_ =	strace s18  }
0x93: {  	s3 =	sld [smem:$0x3FFC];
	_ =	sdelay $0x3  }
0x94: {  	_ =	strace s3  }
0x95: {  	s3 =	sld [smem:$0x3FFD];
	_ =	sdelay $0x3  }
0x96: {  	_ =	strace s3  }
0x97: {  	_ =	strace $0x8FFFFFFF  }
0x98: {  	s19 =	sld [smem:$0x3FDB];
	_ =	sdelay $0x1  }
0x99: {  	s4 =	simm.s32 $_scs_section_size  }
0x9a: {  	s5 =	simm.s32 $_size__tile_overlayer_lowered;
	s6 =	simm.s32 $_tile_overlayer_lowered  }
0x9b: {  	s22 =	simm.s32 $0x1BFF;
	s21 =	sshll.u32 s6, $0x1;
	s3 =	sadd.s32 s4, s19  }
0x9c: {  	s7 =	simm.s32 $0x0;
	s20 =	sshll.u32 s5, $0x1;
	s5 =	sadd.s32 s21, s3  }
0x9d: {  	[timem:s7], [sflag:s22] =	dma.local [hbm:s5], s20  }
0x9e: {  	_ =	swait.ge [sflag:s22], s20  }
0x9f: {  	s4 =	ssub.s32 $0x0, s20;
	[sflag:s22] =	ssyncset.done $0x0  }
0xa0: {  	[sflag:s22] =	ssyncadd.s32 s4;
	_ =	sdelay $0x1  }
0xa1: {  	s23 =	simm.s32 $0x1B8B  }
0xa2: {  	_ =	swait.ge [sflag:s23], $0x1  }
0xa3: {  	[sflag:s23] =	ssyncset.done $0x0  }
0xa4: {  	s25 =	simm.s32 $0x1B8E;
	s24 =	sld [smem:$0x3FFE];
	[sflag:s23] =	ssyncadd.s32 $0xFFFFFFFF  }
0xa5: {  	s26 =	simm.s32 $execute0_lowered;
	[smem:$0x3FD2] =	sst s25  }
0xa6: {  	s5 =	sshll.u32 s26, $0x1;
	_ =	strace $0x80000046;
	[dreg:$0x1] =	wrdreg $0xFFFFFFFF  }
0xa7: {  	s28 =	simm.s32 $_size_execute0_lowered;
	s3 =	sadd.s32 s3, s5;
	[dreg:$0x0] =	wrdreg $0x0  }
0xa8: {  	s5 =	sshll.u32 s28, $0x1;
	[dreg:$0x2] =	wrdreg s3  }
0xa9: {  	[dreg:$0x3] =	wrdreg s5  }
0xaa: {  	[dreg:$0x4] =	wrdreg $0xC0  }
0xab: {  	_ =	task [dreg:s7], $0x5FFFF  }
0xac: {  	[dreg:$0x1] =	wrdreg $0xFFFFFFFF  }
0xad: {  	[dreg:$0x0] =	wrdreg $0x60  }
0xae: {  	[dreg:$0x2] =	wrdreg s24  }
0xaf: {  	[dreg:$0x3] =	wrdreg s2  }
0xb0: {  	[dreg:$0x4] =	wrdreg $0x9  }
0xb1: {  	_ =	task.clear_ibuf [dreg:s7], $0x5FFFF;
	_ =	strace $0x90000046  }
0xb2: {  	s29 =	simm.s32 $0x9;
	_ =	strace $0x80000048  }
0xb3: {  	_ =	swait.ge [sflag:s29], $0x1  }
0xb4: {  	[sflag:s29] =	ssyncadd.s32 $0xFFFFFFFF  }
0xb5: {  	_ =	strace $0x90000048  }
0xb6: {  	_ =	sfence  }
0xb7: {  	s30 =	sld [smem:$0x0];
	_ =	sdelay $0x2  }
0xb8: {  	s31 =	sshll.u32 s1, $0xD;
	s1 =	sshrl.u32 s1, $0x2  }
0xb9: {  	s3 =	sand.u32 $0x4000, s31;
	s1 =	sadd.s32 s1, s30  }
0xba: {  	s0 =	sor.u32 s3, s0;
	s1 =	sshll.u32 s1, $0x11  }
0xbb: {  	s0 =	sor.u32 s1, s0  }
0xbc: {  	s0 =	sadd.s32 $0x8F2B, s0  }
0xbd: {  	[sflag:s0] =	ssyncadd.remote.s32 $0x1  }
0xbe: {  	_ =	sfence.sel $0xFFFF  }
0xbf: {  	[dreg:$0x0] =	wrdreg $0xFFFFFFFF;
	(pc) =	sbr.abs _section_cstart, $3  }
0xc0: {  	[dreg:$0x1] =	wrdreg $0xFFFFFFFF  }
0xc1: {  	_ =	task.clear_ibuf [dreg:s7], $0x2FFFF;
	_ =	strace $0x9FFFFFFF  }
0xc2: {  	(tm) =	ssettm $0x7FFFFFFF  }
0xc3: {  	_ =	shalt  }
tec
execute0_lowered:
.L_overlay_start_1:
0x0: {  	(tag) =	ssettag $0x1  }
0x1: {  	s0 =	rddreg [dreg:$0x0];
	s1 =	srdreg.scid  }
0x2: {  	s2 =	stileid.u32;
	s3 =	simm.s32 $0x0;
	s12 =	simm.s32 $0x3  }
0x3: {  	s14 =	simm.s32 $0x1AD00;
	s15 =	simm.s32 $0x1AF00;
	s16 =	simm.s32 $0xD00  }
0x4: {  	s17 =	simm.s32 $0xD000;
	s18 =	simm.s32 $0x13800;
	s21 =	simm.s32 $0x1A00  }
0x5: {  	s24 =	simm.s32 $0x2700;
	s28 =	simm.s32 $0x3400;
	s31 =	simm.s32 $0x4100  }
0x6: {  	s20 =	simm.s32 $0x5B00;
	s23 =	simm.s32 $0x19300;
	s25 =	simm.s32 $0x1  }
0x7: {  	s29 =	simm.s32 $0x1A000;
	s1 =	sand.u32 $0x1, s1;
	s2 =	sshll.u32 s2, $0x1  }
0x8: {  	s30 =	simm.s32 $0x0;
	[smem:$0x7FF] =	sst s3;
	s2 =	sor.u32 s1, s2  }
0x9: {  	s4 =	sadd.s32 $0xF8400, s0;
	s1 =	ssub.s32 $0x2, s1;
	s7 =	smul.u32 $0xD00, s2  }
0xa: {  	s5 =	sadd.s32 $0x4200, s0;
	s2 =	smul.u32 $0x1A0, s2;
	s26 =	sshrl.u32 s1, $0x1  }
0xb: {  	s6 =	sadd.s32 $0x220600, s0;
	_ =	strace $0x80000047;
	s1 =	ssub.s32 s1, s26  }
0xc: {  	v0 =	vlaneseq.u32;
	s10 =	sadd.s32 s7, s0;
	s0 =	sadd.s32 s2, s0;
	s2 =	simm.s32 $0x4E00  }
0xd: {  	v1 =	vand.u32 $0x7, v0;
	s26 =	simm.s32 $0x2;
	s7 =	sadd.s32 $0x206600, s10;
	s8 =	sadd.s32 $0x1EC600, s10  }
0xe: {  	v1 =	vmul.u32 $0xD00, v1;
	s11 =	smax.u32 s1, $0x1;
	s9 =	sadd.s32 $0x23A800, s0;
	s10 =	sadd.s32 $0x220800, s10  }
.LBB2_1:
0xf: {  	[tilespmem:s3], [sflag:$0x3] =	stream.linear.gather [hbm4b:s7+s3], $0x6800, $0x38;
	[tilespmem:$0x1B100] =	vst v63  }
0x10: {  	_ =	swait.ge [sflag:s12], $0x6800  }
0x11: {  	[sflag:s12] =	ssyncset.done $0x0  }
0x12: {  	s0 =	simm.s32 $0x6800;
	[sflag:s12] =	ssyncadd.s32 $0xFFFF9800  }
0x13: {  	[tilespmem:s0], [sflag:$0x3] =	stream.linear.gather [hbm4b:s8+s3], $0x6800, $0x38;
	[tilespmem:$0x1B100] =	vst v63  }
0x14: {  	_ =	swait.ge [sflag:s12], $0x6800  }
0x15: {  	[sflag:s12] =	ssyncset.done $0x0  }
0x16: {  	[sflag:s12] =	ssyncadd.s32 $0xFFFF9800  }
0x17: {  	s19 =	rddreg [dreg:$0x1]  }
0x18: {  	[tilespmem:s14], [sflag:$0x3] =	stream.linear.gather [hbm4b:s19+s3], $0x200, $0x38;
	[tilespmem:$0x1B100] =	vst v63  }
0x19: {  	_ =	swait.ge [sflag:s12], $0x200  }
0x1a: {  	[sflag:s12] =	ssyncset.done $0x0  }
0x1b: {  	[sflag:s12] =	ssyncadd.s32 $0xFFFFFE00  }
0x1c: {  	[tilespmem:s15], [sflag:$0x3] =	stream.linear.gather [hbm4b:s6+s3], $0x200, $0x38;
	[tilespmem:$0x1B100] =	vst v63  }
0x1d: {  	_ =	swait.ge [sflag:s12], $0x200  }
0x1e: {  	[sflag:s12] =	ssyncset.done $0x0  }
0x1f: {  	[sflag:s12] =	ssyncadd.s32 $0xFFFFFE00  }
0x20: {  	[tilespmem:s17], [sflag:$0x1] =	stream.indirect.gather [hbm4b:s4+s16], $0x1, s3, s16, $0xb8;
	[tilespmem:$0x1B100] =	vst v63  }
0x21: {  	_ = 	snop  }
0x22: {  	[tilespmem:s18], [sflag:$0x2] =	stream.indirect.gather [hbm4b:s5+s16], $0x1, s3, s16, $0xb8;
	[tilespmem:$0x1B100] =	vst v63  }
0x23: {  	s22 =	simm.s32 $0xDD00  }
0x24: {  	[tilespmem:s22], [sflag:$0x1] =	stream.indirect.gather [hbm4b:s4+s16], $0x1, s16, s16, $0xb8;
	[tilespmem:$0x1B100] =	vst v63  }
0x25: {  	s1 =	simm.s32 $0x14500  }
0x26: {  	[tilespmem:s1], [sflag:$0x2] =	stream.indirect.gather [hbm4b:s5+s16], $0x1, s16, s16, $0xb8;
	[tilespmem:$0x1B100] =	vst v63  }
0x27: {  	s13 =	simm.s32 $0xEA00  }
0x28: {  	[tilespmem:s13], [sflag:$0x1] =	stream.indirect.gather [hbm4b:s4+s16], $0x1, s21, s16, $0xb8;
	[tilespmem:$0x1B100] =	vst v63  }
0x29: {  	s19 =	simm.s32 $0x15200  }
0x2a: {  	[tilespmem:s19], [sflag:$0x2] =	stream.indirect.gather [hbm4b:s5+s16], $0x1, s21, s16, $0xb8;
	[tilespmem:$0x1B100] =	vst v63  }
0x2b: {  	s22 =	simm.s32 $0xF700  }
0x2c: {  	[tilespmem:s22], [sflag:$0x1] =	stream.indirect.gather [hbm4b:s4+s16], $0x1, s24, s16, $0xb8;
	[tilespmem:$0x1B100] =	vst v63  }
0x2d: {  	s1 =	simm.s32 $0x15F00  }
0x2e: {  	[tilespmem:s1], [sflag:$0x2] =	stream.indirect.gather [hbm4b:s5+s16], $0x1, s24, s16, $0xb8;
	[tilespmem:$0x1B100] =	vst v63  }
0x2f: {  	s13 =	simm.s32 $0x10400  }
0x30: {  	[tilespmem:s13], [sflag:$0x1] =	stream.indirect.gather [hbm4b:s4+s16], $0x1, s28, s16, $0xb8;
	[tilespmem:$0x1B100] =	vst v63  }
0x31: {  	s19 =	simm.s32 $0x16C00  }
0x32: {  	[tilespmem:s19], [sflag:$0x2] =	stream.indirect.gather [hbm4b:s5+s16], $0x1, s28, s16, $0xb8;
	[tilespmem:$0x1B100] =	vst v63  }
0x33: {  	s22 =	simm.s32 $0x11100  }
0x34: {  	[tilespmem:s22], [sflag:$0x1] =	stream.indirect.gather [hbm4b:s4+s16], $0x1, s31, s16, $0xb8;
	[tilespmem:$0x1B100] =	vst v63  }
0x35: {  	s1 =	simm.s32 $0x17900  }
0x36: {  	[tilespmem:s1], [sflag:$0x2] =	stream.indirect.gather [hbm4b:s5+s16], $0x1, s31, s16, $0xb8;
	[tilespmem:$0x1B100] =	vst v63  }
0x37: {  	s13 =	simm.s32 $0x11E00  }
0x38: {  	[tilespmem:s13], [sflag:$0x1] =	stream.indirect.gather [hbm4b:s4+s16], $0x1, s2, s16, $0xb8;
	[tilespmem:$0x1B100] =	vst v63  }
0x39: {  	s19 =	simm.s32 $0x18600  }
0x3a: {  	[tilespmem:s19], [sflag:$0x2] =	stream.indirect.gather [hbm4b:s5+s16], $0x1, s2, s16, $0xb8;
	[tilespmem:$0x1B100] =	vst v63  }
0x3b: {  	s22 =	simm.s32 $0x12B00  }
0x3c: {  	[tilespmem:s22], [sflag:$0x1] =	stream.indirect.gather [hbm4b:s4+s16], $0x1, s20, s16, $0xb8;
	[tilespmem:$0x1B100] =	vst v63  }
0x3d: {  	_ = 	snop  }
0x3e: {  	[tilespmem:s23], [sflag:$0x2] =	stream.indirect.gather [hbm4b:s5+s16], $0x1, s20, s16, $0xb8;
	[tilespmem:$0x1B100] =	vst v63  }
0x3f: {  	_ =	swait.ge [sflag:s25], $0xD00  }
0x40: {  	[sflag:s25] =	ssyncset.done $0x0  }
0x41: {  	[sflag:s25] =	ssyncadd.s32 $0xFFFFF300  }
0x42: {  	_ =	swait.ge [sflag:s26], $0xD00  }
0x43: {  	[sflag:s26] =	ssyncset.done $0x0  }
0x44: {  	[sflag:s26] =	ssyncadd.s32 $0xFFFFF300  }
0x45: {  	_ =	swait.ge [sflag:s25], $0xD00  }
0x46: {  	[sflag:s25] =	ssyncset.done $0x0  }
0x47: {  	[sflag:s25] =	ssyncadd.s32 $0xFFFFF300  }
0x48: {  	_ =	swait.ge [sflag:s26], $0xD00  }
0x49: {  	[sflag:s26] =	ssyncset.done $0x0  }
0x4a: {  	[sflag:s26] =	ssyncadd.s32 $0xFFFFF300  }
0x4b: {  	_ =	swait.ge [sflag:s25], $0xD00  }
0x4c: {  	[sflag:s25] =	ssyncset.done $0x0  }
0x4d: {  	[sflag:s25] =	ssyncadd.s32 $0xFFFFF300  }
0x4e: {  	_ =	swait.ge [sflag:s26], $0xD00  }
0x4f: {  	[sflag:s26] =	ssyncset.done $0x0  }
0x50: {  	[sflag:s26] =	ssyncadd.s32 $0xFFFFF300  }
0x51: {  	_ =	swait.ge [sflag:s25], $0xD00  }
0x52: {  	[sflag:s25] =	ssyncset.done $0x0  }
0x53: {  	[sflag:s25] =	ssyncadd.s32 $0xFFFFF300  }
0x54: {  	_ =	swait.ge [sflag:s26], $0xD00  }
0x55: {  	[sflag:s26] =	ssyncset.done $0x0  }
0x56: {  	[sflag:s26] =	ssyncadd.s32 $0xFFFFF300  }
0x57: {  	_ =	swait.ge [sflag:s25], $0xD00  }
0x58: {  	[sflag:s25] =	ssyncset.done $0x0  }
0x59: {  	[sflag:s25] =	ssyncadd.s32 $0xFFFFF300  }
0x5a: {  	_ =	swait.ge [sflag:s26], $0xD00  }
0x5b: {  	[sflag:s26] =	ssyncset.done $0x0  }
0x5c: {  	[sflag:s26] =	ssyncadd.s32 $0xFFFFF300  }
0x5d: {  	_ =	swait.ge [sflag:s25], $0xD00  }
0x5e: {  	[sflag:s25] =	ssyncset.done $0x0  }
0x5f: {  	[sflag:s25] =	ssyncadd.s32 $0xFFFFF300  }
0x60: {  	_ =	swait.ge [sflag:s26], $0xD00  }
0x61: {  	[sflag:s26] =	ssyncset.done $0x0  }
0x62: {  	[sflag:s26] =	ssyncadd.s32 $0xFFFFF300  }
0x63: {  	_ =	swait.ge [sflag:s25], $0xD00  }
0x64: {  	[sflag:s25] =	ssyncset.done $0x0  }
0x65: {  	[sflag:s25] =	ssyncadd.s32 $0xFFFFF300  }
0x66: {  	_ =	swait.ge [sflag:s26], $0xD00  }
0x67: {  	[sflag:s26] =	ssyncset.done $0x0  }
0x68: {  	[sflag:s26] =	ssyncadd.s32 $0xFFFFF300  }
0x69: {  	_ =	swait.ge [sflag:s25], $0xD00  }
0x6a: {  	[sflag:s25] =	ssyncset.done $0x0  }
0x6b: {  	[sflag:s25] =	ssyncadd.s32 $0xFFFFF300  }
0x6c: {  	_ =	swait.ge [sflag:s26], $0xD00  }
0x6d: {  	[sflag:s26] =	ssyncset.done $0x0  }
0x6e: {  	s1 =	simm.s32 $0x0;
	[sflag:s26] =	ssyncadd.s32 $0xFFFFF300  }
0x6f: {  	v2 =	vld [tilespmem:s1+$0x6800];
	_ =	sdelay $0x4  }
0x70: {  	vm0 =	vgt.s32 v2, $0x0  }
0x71: {  	v2 =	vadd.s32 $0xFFFFFFFF, v2  }
0x72: {  	s0 =	simm.s32 $0x10  }
0x73: {  	v7 =	vld [tilespmem:s0+$0x6800]  }
0x74: {  	v3 =	vld [tilespmem:s1+$0xD000]  }
0x75: {  	v6 =	vld [tilespmem:s1+$0x13800]  }
0x76: {  	v5 =	vld.idx.msk [tilespmem:v2+s14+$0x0], vm0  }
0x77: {  	v4 =	vld.idx.msk [tilespmem:v2+s15+$0x0], vm0;
	_ =	sdelay $0x1  }
0x78: {  	v2 =	vadd.s32 $0xFFFFFFFF, v7  }
0x79: {  	s13 =	simm.s32 $0x20;
	s19 =	simm.s32 $0xC0;
	vm1 =	vmmov vm0;
	vm0 =	vgt.s32 v7, $0x0  }
.LBB2_2:
0x7a: {  	p0 =	sne.s32 s19, $0x19FC0;
	v7 =	vld [tilespmem:s13+$0x6800];
	v3 =	vsel vm1, v5, v3;
	s22 =	smov.u32 s19;
	s19 =	sadd.s32 $0x40, s19  }
0x7b: {  	[tilespmem:s1+$0xD000] =	vst v3;
	v4 =	vsel vm1, v4, v6;
	vm1 =	vmmov vm0  }
0x7c: {  	v3 =	vld [tilespmem:s0+$0xD000];
	[tilespmem:s1+$0x13800] =	vst v4;
	s1 =	smov.u32 s0;
	s0 =	smov.u32 s13  }
0x7d: {  	v5 =	vld.idx.msk [tilespmem:v2+s14+$0x0], vm0  }
.Ltmp0:
0x7e: {  	v4 =	vld.idx.msk [tilespmem:v2+s15+$0x0], vm0;
	(pc) =	sbr.rel @p0 .LBB2_2-.Ltmp0, $3  }
0x7f: {  	vm0 =	vgt.s32 v7, $0x0;
	v6 =	vld [tilespmem:s1+$0x13800]  }
0x80: {  	v2 =	vadd.s32 $0xFFFFFFFF, v7;
	_ =	sdelay $0x1  }
0x81: {  	s13 =	sshra.s32 s22, $0x2  }
0x82: {  	_ =	sdelay $0x1  }
0x83: {  	v3 =	vsel vm1, v5, v3  }
0x84: {  	v7 =	vld [tilespmem:s13+$0x6800];
	[tilespmem:s1+$0xD000] =	vst v3;
	v3 =	vsel vm1, v4, v6  }
0x85: {  	v4 =	vld [tilespmem:s0+$0xD000];
	[tilespmem:s1+$0x13800] =	vst v3  }
0x86: {  	v3 =	vld.idx.msk [tilespmem:v2+s14+$0x0], vm0  }
0x87: {  	v2 =	vld.idx.msk [tilespmem:v2+s15+$0x0], vm0  }
0x88: {  	v5 =	vld [tilespmem:s0+$0x13800]  }
0x89: {  	vm13 =	vgt.s32 v7, $0x0  }
0x8a: {  	v6 =	vadd.s32 $0xFFFFFFFF, v7  }
0x8b: {  	vm14 =	vmmov vm0  }
0x8c: {  	v3 =	vsel vm14, v3, v4  }
0x8d: {  	v2 =	vsel vm14, v2, v5;
	[tilespmem:s0+$0xD000] =	vst v3  }
0x8e: {  	v3 =	vld [tilespmem:s13+$0xD000];
	[tilespmem:s0+$0x13800] =	vst v2  }
0x8f: {  	v2 =	vld.idx.msk [tilespmem:v6+s14+$0x0], vm13  }
0x90: {  	v4 =	vld.idx.msk [tilespmem:v6+s15+$0x0], vm13  }
0x91: {  	v5 =	vld [tilespmem:s13+$0x13800];
	_ =	sdelay $0x2  }
0x92: {  	vm15 =	vmmov vm13  }
0x93: {  	v2 =	vsel vm15, v2, v3  }
0x94: {  	[tilespmem:s13+$0xD000] =	vst v2;
	v2 =	vsel vm15, v4, v5  }
0x95: {  	s1 =	simm.s32 $0x0;
	[tilespmem:s13+$0x13800] =	vst v2  }
0x96: {  	v2 =	vld [tilespmem:s1+$0xD000]  }
0x97: {  	v3 =	vld [tilespmem:s1+$0xDD00];
	_ =	sdelay $0x1  }
0x98: {  	v4 =	vld [tilespmem:s1+$0xEA00];
	_ =	sdelay $0x1  }
0x99: {  	v5 =	vld [tilespmem:s1+$0xF700]  }
0x9a: {  	v6 =	vld [tilespmem:s1+$0x11100];
	v2 =	vadd.f32 v3, v2  }
0x9b: {  	s0 =	simm.s32 $0x10;
	v3 =	vld [tilespmem:s1+$0x10400]  }
0x9c: {  	v7 =	vld [tilespmem:s0+$0xD000];
	v2 =	vadd.f32 v4, v2  }
0x9d: {  	v8 =	vld [tilespmem:s0+$0xDD00]  }
0x9e: {  	v9 =	vld [tilespmem:s1+$0x11E00];
	v2 =	vadd.f32 v5, v2  }
0x9f: {  	v10 =	vld [tilespmem:s0+$0xEA00]  }
0xa0: {  	v4 =	vld [tilespmem:s1+$0x12B00];
	v5 =	vadd.f32 v3, v2  }
0xa1: {  	v3 =	vld [tilespmem:s0+$0xF700]  }
0xa2: {  	v7 =	vadd.f32 v8, v7;
	v2 =	vld [tilespmem:s0+$0x11100];
	v8 =	vadd.f32 v6, v5  }
0xa3: {  	s13 =	simm.s32 $0x20;
	v5 =	vld [tilespmem:s0+$0x10400]  }
0xa4: {  	s19 =	simm.s32 $0xC0;
	v7 =	vadd.f32 v10, v7;
	v6 =	vld [tilespmem:s13+$0xD000];
	v8 =	vadd.f32 v9, v8  }
.LBB2_4:
0xa5: {  	p0 =	sne.s32 s19, $0x33C0;
	v9 =	vld [tilespmem:s13+$0xDD00]  }
0xa6: {  	v3 =	vadd.f32 v3, v7;
	v10 =	vld [tilespmem:s0+$0x11E00];
	v7 =	vadd.f32 v4, v8  }
0xa7: {  	v8 =	vld [tilespmem:s13+$0xEA00]  }
.Ltmp1:
0xa8: {  	v5 =	vadd.f32 v5, v3;
	v4 =	vld [tilespmem:s0+$0x12B00];
	[tilespmem:s1+$0x1A000] =	vst v7;
	s1 =	smov.u32 s0;
	s0 =	smov.u32 s13;
	(pc) =	sbr.rel @p0 .LBB2_4-.Ltmp1, $4  }
0xa9: {  	v3 =	vld [tilespmem:s0+$0xF700]  }
0xaa: {  	v7 =	vadd.f32 v9, v6;
	v9 =	vadd.f32 v2, v5;
	v2 =	vld [tilespmem:s0+$0x11100]  }
0xab: {  	s13 =	sshra.s32 s19, $0x2;
	v5 =	vld [tilespmem:s0+$0x10400]  }
0xac: {  	s19 =	sadd.s32 $0x40, s19;
	v6 =	vld [tilespmem:s13+$0xD000];
	v7 =	vadd.f32 v8, v7;
	v8 =	vadd.f32 v10, v9  }
0xad: {  	v9 =	vld [tilespmem:s13+$0xDD00]  }
0xae: {  	v10 =	vld [tilespmem:s0+$0x11E00];
	v4 =	vadd.f32 v4, v8  }
0xaf: {  	v61 =	vld [tilespmem:s13+$0xEA00]  }
0xb0: {  	v11 =	vld [tilespmem:s0+$0x12B00];
	[tilespmem:s1+$0x1A000] =	vst v4  }
0xb1: {  	v4 =	vld [tilespmem:s13+$0xF700]  }
0xb2: {  	v6 =	vadd.f32 v9, v6  }
0xb3: {  	v62 =	vld [tilespmem:s13+$0x10400]  }
0xb4: {  	v6 =	vadd.f32 v61, v6  }
0xb5: {  	v3 =	vadd.f32 v3, v7;
	v63 =	vld [tilespmem:s13+$0x11100]  }
0xb6: {  	v4 =	vadd.f32 v4, v6  }
0xb7: {  	v3 =	vadd.f32 v5, v3;
	v5 =	vld [tilespmem:s13+$0x11E00]  }
0xb8: {  	v4 =	vadd.f32 v62, v4  }
0xb9: {  	v2 =	vadd.f32 v2, v3;
	v3 =	vld [tilespmem:s13+$0x12B00]  }
0xba: {  	v4 =	vadd.f32 v63, v4  }
0xbb: {  	v2 =	vadd.f32 v10, v2  }
0xbc: {  	v4 =	vadd.f32 v5, v4  }
0xbd: {  	s22 =	simm.s32 $0x0;
	v2 =	vadd.f32 v11, v2  }
0xbe: {  	v3 =	vadd.f32 v3, v4;
	v4 =	vor.u32 s22, v0  }
0xbf: {  	[tilespmem:s0+$0x1A000] =	vst v2;
	v2 =	vshrl.u32 v4, $0x3  }
0xc0: {  	[tilespmem:s13+$0x1A000] =	vst v3;
	v2 =	vadd.s32 v1, v2  }
0xc1: {  	[hbm4b:s9+s22] =	stream.linear.scatter [tilespmem:s29], [sflag:$0x3], $0xD00, $0x38;
	[tilespmem:$0x1B100] =	vst v63  }
0xc2: {  	_ =	swait.ge [sflag:s12], $0xD00  }
0xc3: {  	s19 =	simm.s32 $0x10;
	[sflag:s12] =	ssyncset.done $0x0  }
0xc4: {  	v3 =	vor.u32 s19, v0;
	[sflag:s12] =	ssyncadd.s32 $0xFFFFF300  }
0xc5: {  	v3 =	vshrl.u32 v3, $0x3;
	v2 =	vld.idx.msk [tilespmem:v2+s18+$0x0], $0xffff  }
0xc6: {  	v4 =	vadd.s32 v1, v3;
	_ =	sdelay $0x2  }
0xc7: {  	s0 =	simm.s32 $0xD000  }
0xc8: {  	s22 =	simm.s32 $0x20;
	[tilespmem:s0+$0x0] =	vst v2  }
0xc9: {  	s1 =	simm.s32 $0x30;
	v3 =	vor.u32 s22, v0;
	v2 =	vld.idx.msk [tilespmem:v4+s18+$0x0], $0xffff  }
.LBB2_6:
0xca: {  	p0 =	sne.s32 s1, $0x67F0;
	v3 =	vshrl.u32 v3, $0x3  }
0xcb: {  	v4 =	vadd.s32 v1, v3  }
.Ltmp2:
0xcc: {  	(pc) =	sbr.rel @p0 .LBB2_6-.Ltmp2, $4  }
0xcd: {  	_ = 	snop  }
0xce: {  	s0 =	sadd.s32 $0x10, s0  }
0xcf: {  	[tilespmem:s0+$0x0] =	vst v2  }
0xd0: {  	v3 =	vor.u32 s1, v0;
	s1 =	sadd.s32 $0x10, s1;
	v2 =	vld.idx.msk [tilespmem:v4+s18+$0x0], $0xffff  }
0xd1: {  	v3 =	vshrl.u32 v3, $0x3  }
0xd2: {  	v3 =	vadd.s32 v1, v3;
	_ =	sdelay $0x2  }
0xd3: {  	s0 =	sadd.s32 $0x10, s0  }
0xd4: {  	[tilespmem:s0+$0x0] =	vst v2  }
0xd5: {  	v2 =	vld.idx.msk [tilespmem:v3+s18+$0x0], $0xffff;
	_ =	sdelay $0x2  }
0xd6: {  	s30 =	sadd.s32 $0x1, s30  }
0xd7: {  	p0 =	sne.s32 s30, s11;
	s0 =	sadd.s32 $0x10, s0  }
.Ltmp3:
0xd8: {  	[tilespmem:s0+$0x0] =	vst v2;
	(pc) =	sbr.rel @p0 .LBB2_1-.Ltmp3, $4  }
0xd9: {  	[hbm4b:s10+s3] =	stream.linear.scatter [tilespmem:s17], [sflag:$0x3], $0x6800, $0x38;
	[tilespmem:$0x1B100] =	vst v63  }
0xda: {  	_ =	swait.ge [sflag:s12], $0x6800  }
0xdb: {  	[sflag:s12] =	ssyncset.done $0x0  }
0xdc: {  	[sflag:s12] =	ssyncadd.s32 $0xFFFF9800  }
0xdd: {  	_ =	sfence.sel $0x180000  }
0xde: {  	[bflag:$0x0] =	sbarrier.arrive $0xFFFF  }
0xdf: {  	_ =	strace $0x90000047  }
0xe0: {  	s0 =	stileid.u32;
	[bflag:$0x2] =	sbarrier.arrive $0xFFFF  }
0xe1: {  	p0 =	sne.s32 s0, $0x0;
	s0 =	rddreg [dreg:$0x2]  }
0xe2: {  	s0 =	sadd.s32 @!p0 $0x100000, s0  }
0xe3: {  	[sflag:s0] =	ssyncadd.tile.s32 @!p0 $0x1;
	_ =	shalt  }
.Lfunc_end2:
_tile_overlayer_lowered:
.L_overlay_start_2:
0xe4: {  	(tag) =	ssettag $0x2  }
0xe5: {  	s0 =	rddreg [dreg:$0x0];
	s2 =	stileid.u32  }
0xe6: {  	s1 =	rddreg [dreg:$0x1];
	p0 =	sne.s32 s2, $0x0  }
0xe7: {  	s3 =	rddreg [dreg:$0x2];
	[bflag:$0x3] =	sbarrier.arrive $0xFFFF;
	s2 =	simm.s32 @!p0 $0x1C03  }
0xe8: {  	[timem:s3], [sflag:s2] =	dma.local @!p0 [hbm:s0], s1  }
0xe9: {  	s0 =	simm.s32 @!p0 $0x3  }
0xea: {  	_ =	swait.ge @!p0 [sflag:s0], s1  }
0xeb: {  	s1 =	ssub.s32 @!p0 $0x0, s1;
	[sflag:s0] =	ssyncset.done @!p0 $0x0  }
0xec: {  	[sflag:s0] =	ssyncadd.s32 @!p0 s1  }
0xed: {  	[bflag:$0x3] =	sbarrier.arrive $0xFFFF  }
0xee: {  	_ =	shalt  }

</sc_bundles>
